<compile_context>
chip_gen: v7x
topology: tpu7x:2x2x1
jax: 0.10.2.dev20260603
libtpu: 0.0.44.dev20260713+nightly
codegen_flags: <defaults>
</compile_context>

<pallas_src>
import functools

import jax
import jax.numpy as jnp
from jax.experimental import pallas as pl

K_CAND = 64
K_FINAL = 16
ALPHA = 0.5
CURVATURE_RATIO = 0.5
NUM_SAMPLES = 1024


def _index_points(points, idx):
    B = points.shape[0]
    batch = jnp.arange(B).reshape((B,) + (1,) * (idx.ndim - 1))
    return points[batch, idx]


def _sample_body(imp_ref, xt_ref, gmax_ref, curv_ref, fps_ref, *, num_curv,
                 num_fps, n):
    imp = imp_ref[0]
    xyz3 = xt_ref[0]
    x = xyz3[0:1, :]
    y = xyz3[1:2, :]
    z = xyz3[2:3, :]
    iota = jax.lax.broadcasted_iota(jnp.int32, (1, n), 1)
    ciota = jax.lax.broadcasted_iota(jnp.int32, (1, num_curv), 1)
    piota = jax.lax.broadcasted_iota(jnp.int32, (1, num_fps), 1)
    neg = jnp.float32(-jnp.inf)

    def tbody(t, carry):
        cur, acc = carry
        m = jnp.max(cur)
        idx = jnp.min(jnp.where(cur == m, iota, n)).astype(jnp.int32)
        acc = jnp.where(ciota == t, idx, acc)
        cur = jnp.where(iota == idx, neg, cur)
        return cur, acc

    tinit = (imp, jnp.zeros((1, num_curv), jnp.int32))
    cur, curv_acc = jax.lax.fori_loop(0, num_curv, tbody, tinit)
    curv_ref[0] = curv_acc
    sel = cur == neg

    m1 = gmax_ref[0, 0] + 1.0
    xm = jnp.where(sel, m1, x)
    ym = jnp.where(sel, m1, y)
    zm = jnp.where(sel, m1, z)

    def fbody(t, carry):
        dmin, far, acc = carry
        acc = jnp.where(piota == t, far, acc)
        sel_far = iota == far
        cx = jnp.sum(jnp.where(sel_far, xm, 0.0))
        cy = jnp.sum(jnp.where(sel_far, ym, 0.0))
        cz = jnp.sum(jnp.where(sel_far, zm, 0.0))
        dx = xm - cx
        dy = ym - cy
        dz = zm - cz
        d = (dx * dx + dy * dy) + dz * dz
        dmin = jnp.minimum(dmin, d)
        m = jnp.max(dmin)
        far_new = jnp.min(jnp.where(dmin == m, iota, n)).astype(jnp.int32)
        return dmin, far_new, acc

    finit = (jnp.full((1, n), 1e10, jnp.float32), jnp.int32(0),
             jnp.zeros((1, num_fps), jnp.int32))
    _, _, facc = jax.lax.fori_loop(0, num_fps, fbody, finit)
    fps_ref[0] = facc


def _sample_pallas(importance, xyz, gmax, num_curv, num_fps):
    B, N, _ = xyz.shape
    xt = jnp.transpose(xyz, (0, 2, 1))
    imp3 = importance[:, None, :]
    gmax2 = jnp.reshape(gmax, (1, 1))
    curv_idx, fps_idx = pl.pallas_call(
        functools.partial(_sample_body, num_curv=num_curv, num_fps=num_fps, n=N),
        grid=(B,),
        in_specs=[
            pl.BlockSpec((1, 1, N), lambda b: (b, 0, 0)),
            pl.BlockSpec((1, 3, N), lambda b: (b, 0, 0)),
            pl.BlockSpec((1, 1), lambda b: (0, 0)),
        ],
        out_specs=[
            pl.BlockSpec((1, 1, num_curv), lambda b: (b, 0, 0)),
            pl.BlockSpec((1, 1, num_fps), lambda b: (b, 0, 0)),
        ],
        out_shape=[
            jax.ShapeDtypeStruct((B, 1, num_curv), jnp.int32),
            jax.ShapeDtypeStruct((B, 1, num_fps), jnp.int32),
        ],
    )(imp3, xt, gmax2)
    return curv_idx[:, 0, :], fps_idx[:, 0, :]


def _cand_body(xb_ref, xt_ref, out_ref, *, n, k):
    xb = xb_ref[0]
    xyz3 = xt_ref[0]
    r = xb.shape[0]
    xa = xyz3[0:1, :]
    ya = xyz3[1:2, :]
    za = xyz3[2:3, :]
    xc = xb[:, 0:1]
    yc = xb[:, 1:2]
    zc = xb[:, 2:3]
    sqa = (xa * xa + ya * ya) + za * za
    sqb = (xc * xc + yc * yc) + zc * zc
    g = jax.lax.dot_general(xb, xyz3, (((1,), (0,)), ((), ())),
                            preferred_element_type=jnp.float32)
    d = jnp.sqrt(jnp.maximum(sqb + sqa - 2.0 * g, 0.0))
    iota = jax.lax.broadcasted_iota(jnp.int32, (r, n), 1)
    kiota = jax.lax.broadcasted_iota(jnp.int32, (r, k + 1), 1)
    inf = jnp.float32(jnp.inf)

    def body(t, carry):
        cur, acc = carry
        m = jnp.min(cur, axis=1, keepdims=True)
        idx = jnp.min(jnp.where(cur == m, iota, n), axis=1, keepdims=True)
        acc = jnp.where(kiota == t, idx, acc)
        cur = jnp.where(iota == idx, inf, cur)
        return cur, acc

    _, acc = jax.lax.fori_loop(
        0, k + 1, body, (d, jnp.zeros((r, k + 1), jnp.int32)))
    out_ref[0] = acc[:, 1:]


def _cand_pallas(xyz, k):
    B, N, _ = xyz.shape
    blk = 512
    xt = jnp.transpose(xyz, (0, 2, 1))
    out = pl.pallas_call(
        functools.partial(_cand_body, n=N, k=k),
        grid=(B, N // blk),
        in_specs=[
            pl.BlockSpec((1, blk, 3), lambda b, i: (b, i, 0)),
            pl.BlockSpec((1, 3, N), lambda b, i: (b, 0, 0)),
        ],
        out_specs=pl.BlockSpec((1, blk, k), lambda b, i: (b, i, 0)),
        out_shape=jax.ShapeDtypeStruct((B, N, k), jnp.int32),
    )(xyz, xt)
    return out


def _eig3_sq(cov):
    a00 = cov[..., 0, 0]; a11 = cov[..., 1, 1]; a22 = cov[..., 2, 2]
    a01 = cov[..., 0, 1]; a02 = cov[..., 0, 2]; a12 = cov[..., 1, 2]
    q = (a00 + a11 + a22) / 3.0
    p1 = a01 * a01 + a02 * a02 + a12 * a12
    b00 = a00 - q; b11 = a11 - q; b22 = a22 - q
    p2 = b00 * b00 + b11 * b11 + b22 * b22 + 2.0 * p1
    p = jnp.sqrt(p2 / 6.0)
    safe_p = jnp.where(p > 0, p, 1.0)
    c00 = b00 / safe_p; c11 = b11 / safe_p; c22 = b22 / safe_p
    c01 = a01 / safe_p; c02 = a02 / safe_p; c12 = a12 / safe_p
    detB = (c00 * (c11 * c22 - c12 * c12)
            - c01 * (c01 * c22 - c12 * c02)
            + c02 * (c01 * c12 - c11 * c02))
    r = jnp.clip(detB / 2.0, -1.0, 1.0)
    phi = jnp.arccos(r) / 3.0
    e1 = q + 2.0 * p * jnp.cos(phi)
    e3 = q + 2.0 * p * jnp.cos(phi + 2.0 * jnp.pi / 3.0)
    e2 = 3.0 * q - e1 - e3
    e1 = jnp.maximum(jnp.where(p > 0, e1, q), 0.0)
    e2 = jnp.maximum(jnp.where(p > 0, e2, q), 0.0)
    e3 = jnp.maximum(jnp.where(p > 0, e3, q), 0.0)
    return e1 * e1, e2 * e2, e3 * e3


def kernel(xyz, features, W1, b1, W2, b2, num_samples):
    B, N, C = features.shape
    cand = _cand_pallas(xyz, K_CAND)
    cat = jnp.concatenate([xyz, features], axis=-1)
    ncat = _index_points(cat, cand)
    mlp_in = ncat - cat[:, :, None, :]
    h = jax.nn.gelu(mlp_in @ W1 + b1, approximate=False)
    scores = (h @ W2 + b2)[..., 0]
    _, top_in_cand = jax.lax.top_k(scores, K_FINAL)
    final_idx = jnp.take_along_axis(cand, top_in_cand, axis=2)
    nfin = _index_points(cat, final_idx)
    dxyz = nfin[..., :3] - xyz[:, :, None, :]
    cov = jnp.einsum('bnki,bnkj->bnij', dxyz, dxyz) / K_FINAL
    l2, l1, l0 = _eig3_sq(cov)
    curv = l0 / (l0 + l1 + l2 + 1e-8)
    dfeat = nfin[..., 3:] - features[:, :, None, :]
    feat_dist = jnp.linalg.norm(dfeat, axis=-1)
    feat_var = feat_dist.mean(axis=-1)
    cn = (curv - curv.mean(axis=1, keepdims=True)) / (jnp.std(curv, axis=1, keepdims=True, ddof=1) + 1e-8)
    fn = (feat_var - feat_var.mean(axis=1, keepdims=True)) / (jnp.std(feat_var, axis=1, keepdims=True, ddof=1) + 1e-8)
    importance = cn + ALPHA * fn
    ns = jnp.asarray(num_samples).astype(jnp.int32)
    num_curv = int(NUM_SAMPLES * CURVATURE_RATIO)
    num_fps = NUM_SAMPLES - num_curv
    curv_idx, fps_idx = _sample_pallas(importance, xyz, xyz.max(), num_curv, num_fps)
    merged = jnp.concatenate([curv_idx.astype(jnp.int32), fps_idx], axis=1)
    merged = merged + (ns - (num_curv + num_fps))
    sampled = _index_points(xyz, merged)
    return sampled, merged

# --- scband reference (transcript-rebuilt; emitter-appended) ---
"""Pipeline reference for scband-intelligent-downsampler-51470888075610 (READ-ONLY COPY).

The authoritative reference and input builder live on the scoring server;
editing this copy changes nothing except your own understanding.
"""

import jax, jax.numpy as jnp
import numpy as np

K_CAND = 64
K_FINAL = 16
ALPHA = 0.5
CURVATURE_RATIO = 0.5
NUM_SAMPLES = 1024


def index_points(points, idx):
    B = points.shape[0]
    batch = jnp.arange(B).reshape((B,) + (1,) * (idx.ndim - 1))
    return points[batch, idx]


def pairwise_dist(x):
    sq = jnp.sum(x * x, axis=-1)
    d2 = sq[:, :, None] + sq[:, None, :] - 2.0 * jnp.einsum('bnc,bmc->bnm', x, x)
    return jnp.sqrt(jnp.maximum(d2, 0.0))


def fps(xyz, npoint):
    B, N, _ = xyz.shape
    def body(carry, _):
        dmin, far = carry
        centroid = xyz[jnp.arange(B), far]
        d = jnp.sum((xyz - centroid[:, None, :]) ** 2, axis=-1)
        dmin = jnp.minimum(dmin, d)
        nf = jnp.argmax(dmin, axis=-1).astype(jnp.int32)
        return (dmin, nf), far
    init = (jnp.full((B, N), 1e10, jnp.float32), jnp.zeros((B,), jnp.int32))
    _, idxs = jax.lax.scan(body, init, None, length=npoint)
    return jnp.transpose(idxs)


def setup_inputs(seed: int = 0):
    key = jax.random.key(seed)
    k1, k2, k3, k4 = jax.random.split(key, 4)
    B, N, C = 2, 4096, 64
    xyz = jax.random.normal(k1, (B, N, 3), dtype=jnp.float32)
    features = jax.random.normal(k2, (B, N, C), dtype=jnp.float32)
    din = 3 + C
    W1 = jax.random.normal(k3, (din, 128), dtype=jnp.float32) * (1.0 / np.sqrt(din))
    b1 = jnp.zeros((128,), dtype=jnp.float32)
    W2 = jax.random.normal(k4, (128, 1), dtype=jnp.float32) * (1.0 / np.sqrt(128))
    b2 = jnp.zeros((1,), dtype=jnp.float32)
    return {"xyz": xyz, "features": features, "W1": W1, "b1": b1, "W2": W2, "b2": b2, "num_samples": 1024}


def reference(xyz, features, W1, b1, W2, b2, num_samples):
    B, N, C = features.shape
    # OptimalNeighborhoodSelector
    dists = pairwise_dist(xyz)
    _, cand = jax.lax.top_k(-dists, K_CAND + 1)
    cand = jax.lax.stop_gradient(cand[:, :, 1:])
    n_xyz = index_points(xyz, cand)
    n_feat = index_points(features, cand)
    rel_xyz = n_xyz - xyz[:, :, None, :]
    rel_feat = n_feat - features[:, :, None, :]
    mlp_in = jnp.concatenate([rel_xyz, rel_feat], axis=-1)
    h = jax.nn.gelu(mlp_in @ W1 + b1, approximate=False)
    scores = (h @ W2 + b2)[..., 0]
    _, top_in_cand = jax.lax.top_k(scores, K_FINAL)
    final_idx = jnp.take_along_axis(cand, top_in_cand, axis=2)
    # calculate_robust_importance
    nx = index_points(xyz, final_idx)
    nf = index_points(features, final_idx)
    dxyz = nx - xyz[:, :, None, :]
    cov = jnp.einsum('bnki,bnkj->bnij', dxyz, dxyz) / K_FINAL
    sv = jnp.linalg.svd(cov, compute_uv=False)
    l2 = sv[..., 0] ** 2
    l1 = sv[..., 1] ** 2
    l0 = sv[..., 2] ** 2
    curv = l0 / (l0 + l1 + l2 + 1e-8)
    dfeat = nf - features[:, :, None, :]
    feat_dist = jnp.linalg.norm(dfeat, axis=-1)
    feat_var = feat_dist.mean(axis=-1)
    cn = (curv - curv.mean(axis=1, keepdims=True)) / (jnp.std(curv, axis=1, keepdims=True, ddof=1) + 1e-8)
    fn = (feat_var - feat_var.mean(axis=1, keepdims=True)) / (jnp.std(feat_var, axis=1, keepdims=True, ddof=1) + 1e-8)
    importance = cn + ALPHA * fn
    # sampling
    ns = jnp.asarray(num_samples).astype(jnp.int32)
    num_curv = int(NUM_SAMPLES * CURVATURE_RATIO)
    num_fps = NUM_SAMPLES - num_curv
    _, curv_idx = jax.lax.top_k(importance, num_curv)
    sel = jnp.zeros((B, N), dtype=bool).at[jnp.arange(B)[:, None], curv_idx].set(True)
    masked_xyz = jnp.where(sel[..., None], xyz.max() + 1.0, xyz)
    fps_idx = fps(jax.lax.stop_gradient(masked_xyz), num_fps)
    merged = jnp.concatenate([curv_idx.astype(jnp.int32), fps_idx], axis=1)
    merged = merged + (ns - (num_curv + num_fps))
    sampled = index_points(xyz, merged)
    return sampled, merged

if __name__ == "__main__":
    import jax
    _d = setup_inputs()
    print(jax.jit(kernel)(*tuple(_d.values())))

</pallas_src>

<mosaic_0001>
module attributes {stable_mosaic.version = 14 : i64} {
  func.func @_cand_body(%arg0: i32, %arg1: i32, %arg2: memref<1x512x3xf32, #tpu.memory_space<vmem>>, %arg3: memref<1x3x4096xf32, #tpu.memory_space<vmem>>, %arg4: memref<1x512x64xi32, #tpu.memory_space<vmem>>) attributes {dimension_semantics = [#tpu.dimension_semantics<arbitrary>, #tpu.dimension_semantics<arbitrary>], iteration_bounds = array<i64: 2, 8>, scalar_prefetch = 0 : i64, scratch_operands = 0 : i64, tpu.core_type = #tpu.core_type<tc>, window_params = [{transform_indices = @transform_0, window_bounds = array<i64: 1, 512, 3>}, {transform_indices = @transform_1, window_bounds = array<i64: 1, 3, 4096>}, {transform_indices = @transform_2, window_bounds = array<i64: 1, 512, 64>}]} {
    %get3A = arith.constant 0 : index
    %get3A_0 = arith.constant 0 : index
    %get3A_1 = arith.constant 0 : index
    %get3A_2 = vector.load %arg2[%get3A, %get3A_0, %get3A_1] : memref<1x512x3xf32, #tpu.memory_space<vmem>>, vector<1x512x3xf32>
    %get3A_3 = vector.shape_cast %get3A_2 : vector<1x512x3xf32> to vector<512x3xf32>
    %get3A_4 = arith.constant 0 : index
    %get3A_5 = arith.constant 0 : index
    %get3A_6 = arith.constant 0 : index
    %get3A_7 = vector.load %arg3[%get3A_4, %get3A_5, %get3A_6] : memref<1x3x4096xf32, #tpu.memory_space<vmem>>, vector<1x3x4096xf32>
    %get3A_8 = vector.shape_cast %get3A_7 : vector<1x3x4096xf32> to vector<3x4096xf32>
    %slice3A = vector.extract_strided_slice %get3A_8 {offsets = [0, 0], sizes = [1, 4096], strides = [1, 1]} : vector<3x4096xf32> to vector<1x4096xf32>
    %slice3A_9 = vector.extract_strided_slice %get3A_8 {offsets = [1, 0], sizes = [1, 4096], strides = [1, 1]} : vector<3x4096xf32> to vector<1x4096xf32>
    %slice3A_10 = vector.extract_strided_slice %get3A_8 {offsets = [2, 0], sizes = [1, 4096], strides = [1, 1]} : vector<3x4096xf32> to vector<1x4096xf32>
    %slice3A_11 = vector.extract_strided_slice %get3A_3 {offsets = [0, 0], sizes = [512, 1], strides = [1, 1]} : vector<512x3xf32> to vector<512x1xf32>
    %slice3A_12 = vector.extract_strided_slice %get3A_3 {offsets = [0, 1], sizes = [512, 1], strides = [1, 1]} : vector<512x3xf32> to vector<512x1xf32>
    %slice3A_13 = vector.extract_strided_slice %get3A_3 {offsets = [0, 2], sizes = [512, 1], strides = [1, 1]} : vector<512x3xf32> to vector<512x1xf32>
    %mul3A = arith.mulf %slice3A, %slice3A : vector<1x4096xf32>
    %mul3A_14 = arith.mulf %slice3A_9, %slice3A_9 : vector<1x4096xf32>
    %add3A = arith.addf %mul3A, %mul3A_14 : vector<1x4096xf32>
    %mul3A_15 = arith.mulf %slice3A_10, %slice3A_10 : vector<1x4096xf32>
    %add3A_16 = arith.addf %add3A, %mul3A_15 : vector<1x4096xf32>
    %mul3A_17 = arith.mulf %slice3A_11, %slice3A_11 : vector<512x1xf32>
    %mul3A_18 = arith.mulf %slice3A_12, %slice3A_12 : vector<512x1xf32>
    %add3A_19 = arith.addf %mul3A_17, %mul3A_18 : vector<512x1xf32>
    %mul3A_20 = arith.mulf %slice3A_13, %slice3A_13 : vector<512x1xf32>
    %add3A_21 = arith.addf %add3A_19, %mul3A_20 : vector<512x1xf32>
    %dot_general3A = arith.constant dense<0.000000e+00> : vector<512x4096xf32>
    %dot_general3A_22 = tpu.matmul %get3A_3, %get3A_8, %dot_general3A {dimension_numbers = #tpu.dot_dimension_numbers<[1], [0], [0], [1], [0, 0, 1, 1], [], []>, transpose_lhs_hint = false} : vector<512x3xf32>, vector<3x4096xf32>, vector<512x4096xf32> -> vector<512x4096xf32>
    %add3A_23 = vector.broadcast %add3A_21 : vector<512x1xf32> to vector<512x4096xf32>
    %add3A_24 = vector.broadcast %add3A_16 : vector<1x4096xf32> to vector<512x4096xf32>
    %add3A_25 = arith.addf %add3A_23, %add3A_24 : vector<512x4096xf32>
    %mul3A_26 = arith.constant 2.000000e+00 : f32
    %mul3A_27 = vector.broadcast %mul3A_26 : f32 to vector<512x4096xf32>
    %mul3A_28 = arith.mulf %mul3A_27, %dot_general3A_22 : vector<512x4096xf32>
    %sub3A = arith.subf %add3A_25, %mul3A_28 : vector<512x4096xf32>
    %max3A = arith.constant 0.000000e+00 : f32
    %max3A_29 = vector.broadcast %max3A : f32 to vector<512x4096xf32>
    %max3A_30 = arith.maximumf %sub3A, %max3A_29 : vector<512x4096xf32>
    %sqrt3A = math.sqrt %max3A_30 : vector<512x4096xf32>
    %iota3A = tpu.iota {dimensions = array<i32: 1>} : vector<512x4096xi32>
    %iota3A_31 = tpu.iota {dimensions = array<i32: 1>} : vector<512x65xi32>
    %broadcast_in_dim3A = arith.constant 0 : i32
    %broadcast_in_dim3A_32 = vector.broadcast %broadcast_in_dim3A : i32 to vector<512x65xi32>
    %scan3A = arith.constant 0x7F800000 : f32
    %scan3A_33 = arith.constant 0 : i32
    %scan3A_34 = arith.constant 65 : i32
    %scan3A_35 = arith.addi %scan3A_33, %scan3A_34 : i32
    %scan3A_36 = arith.constant 1 : i32
    %scan3A_37:2 = scf.for %scan3A_45 = %scan3A_33 to %scan3A_35 step %scan3A_36 iter_args(%scan3A_46 = %sqrt3A, %scan3A_47 = %broadcast_in_dim3A_32) -> (vector<512x4096xf32>, vector<512x65xi32>)  : i32 {
      %reduce_min3A = arith.constant dense<0x7F800000> : vector<512xf32>
      %reduce_min3A_48 = vector.multi_reduction <minimumf>, %scan3A_46, %reduce_min3A [1] : vector<512x4096xf32> to vector<512xf32>
      %broadcast_in_dim3A_49 = vector.shape_cast %reduce_min3A_48 : vector<512xf32> to vector<512x1xf32>
      %eq3A = vector.broadcast %broadcast_in_dim3A_49 : vector<512x1xf32> to vector<512x4096xf32>
      %eq3A_50 = arith.cmpf oeq, %scan3A_46, %eq3A : vector<512x4096xf32>
      %jit3A = arith.constant 4096 : i32
      %broadcast_in_dim3A_51 = vector.broadcast %jit3A : i32 to vector<512x4096xi32>
      %select_n3A = arith.select %eq3A_50, %iota3A, %broadcast_in_dim3A_51 : vector<512x4096xi1>, vector<512x4096xi32>
      %reduce_min3A_52 = arith.constant dense<2147483647> : vector<512xi32>
      %reduce_min3A_53 = vector.multi_reduction <minsi>, %select_n3A, %reduce_min3A_52 [1] : vector<512x4096xi32> to vector<512xi32>
      %broadcast_in_dim3A_54 = vector.shape_cast %reduce_min3A_53 : vector<512xi32> to vector<512x1xi32>
      %eq3A_55 = vector.broadcast %scan3A_45 : i32 to vector<512x65xi32>
      %eq3A_56 = arith.cmpi eq, %iota3A_31, %eq3A_55 : vector<512x65xi32>
      %broadcast_in_dim3A_57 = vector.shape_cast %broadcast_in_dim3A_54 : vector<512x1xi32> to vector<512x1xi32>
      %broadcast_in_dim3A_58 = vector.broadcast %broadcast_in_dim3A_57 : vector<512x1xi32> to vector<512x65xi32>
      %select_n3A_59 = arith.select %eq3A_56, %broadcast_in_dim3A_58, %scan3A_47 : vector<512x65xi1>, vector<512x65xi32>
      %eq3A_60 = vector.broadcast %broadcast_in_dim3A_54 : vector<512x1xi32> to vector<512x4096xi32>
      %eq3A_61 = arith.cmpi eq, %iota3A, %eq3A_60 : vector<512x4096xi32>
      %broadcast_in_dim3A_62 = vector.broadcast %scan3A : f32 to vector<512x4096xf32>
      %select_n3A_63 = arith.select %eq3A_61, %broadcast_in_dim3A_62, %scan3A_46 : vector<512x4096xi1>, vector<512x4096xf32>
      scf.yield %select_n3A_63, %select_n3A_59 : vector<512x4096xf32>, vector<512x65xi32>
    }
    %scan3A_38 = arith.constant 65 : i32
    %slice3A_39 = vector.extract_strided_slice %scan3A_37#1 {offsets = [0, 1], sizes = [512, 64], strides = [1, 1]} : vector<512x65xi32> to vector<512x64xi32>
    %swap3A = arith.constant 0 : index
    %swap3A_40 = arith.constant 0 : index
    %swap3A_41 = arith.constant 0 : index
    %swap3A_42 = vector.load %arg4[%swap3A, %swap3A_40, %swap3A_41] : memref<1x512x64xi32, #tpu.memory_space<vmem>>, vector<1x512x64xi32>
    %swap3A_43 = vector.shape_cast %swap3A_42 : vector<1x512x64xi32> to vector<512x64xi32>
    %swap3A_44 = vector.shape_cast %slice3A_39 : vector<512x64xi32> to vector<1x512x64xi32>
    tpu.vector_store %arg4[%swap3A, %swap3A_40, %swap3A_41], %swap3A_44 {strides = array<i32>} : memref<1x512x64xi32, #tpu.memory_space<vmem>>, vector<1x512x64xi32>,
    return
  }
  func.func @transform_0(%arg0: i32, %arg1: i32) -> (i32, i32, i32) {
    %c0_i32 = arith.constant 0 : i32
    %c0_i32_0 = arith.constant 0 : i32
    return %arg0, %arg1, %c0_i32 : i32, i32, i32
  }
  func.func @transform_1(%arg0: i32, %arg1: i32) -> (i32, i32, i32) {
    %c0_i32 = arith.constant 0 : i32
    %c0_i32_0 = arith.constant 0 : i32
    %c0_i32_1 = arith.constant 0 : i32
    return %arg0, %c0_i32, %c0_i32_0 : i32, i32, i32
  }
  func.func @transform_2(%arg0: i32, %arg1: i32) -> (i32, i32, i32) {
    %c0_i32 = arith.constant 0 : i32
    %c0_i32_0 = arith.constant 0 : i32
    return %arg0, %arg1, %c0_i32 : i32, i32, i32
  }
}

module attributes {stable_mosaic.version = 14 : i64} {
  func.func @_sample_body(%arg0: i32, %arg1: memref<1x1x4096xf32, #tpu.memory_space<vmem>>, %arg2: memref<1x3x4096xf32, #tpu.memory_space<vmem>>, %arg3: memref<1x1xf32, #tpu.memory_space<vmem>>, %arg4: memref<1x1x512xi32, #tpu.memory_space<vmem>>, %arg5: memref<1x1x512xi32, #tpu.memory_space<vmem>>) attributes {dimension_semantics = [#tpu.dimension_semantics<arbitrary>], iteration_bounds = array<i64: 2>, scalar_prefetch = 0 : i64, scratch_operands = 0 : i64, tpu.core_type = #tpu.core_type<tc>, window_params = [{transform_indices = @transform_0, window_bounds = array<i64: 1, 1, 4096>}, {transform_indices = @transform_1, window_bounds = array<i64: 1, 3, 4096>}, {pipeline_mode = #tpu.pipeline_mode<synchronous>, transform_indices = @transform_2, window_bounds = array<i64: 1, 1>}, {transform_indices = @transform_3, window_bounds = array<i64: 1, 1, 512>}, {transform_indices = @transform_4, window_bounds = array<i64: 1, 1, 512>}]} {
    %get3A = arith.constant 0 : index
    %get3A_0 = arith.constant 0 : index
    %get3A_1 = arith.constant 0 : index
    %get3A_2 = vector.load %arg1[%get3A, %get3A_0, %get3A_1] : memref<1x1x4096xf32, #tpu.memory_space<vmem>>, vector<1x1x4096xf32>
    %get3A_3 = vector.shape_cast %get3A_2 : vector<1x1x4096xf32> to vector<1x4096xf32>
    %get3A_4 = arith.constant 0 : index
    %get3A_5 = arith.constant 0 : index
    %get3A_6 = arith.constant 0 : index
    %get3A_7 = vector.load %arg2[%get3A_4, %get3A_5, %get3A_6] : memref<1x3x4096xf32, #tpu.memory_space<vmem>>, vector<1x3x4096xf32>
    %get3A_8 = vector.shape_cast %get3A_7 : vector<1x3x4096xf32> to vector<3x4096xf32>
    %slice3A = vector.extract_strided_slice %get3A_8 {offsets = [0, 0], sizes = [1, 4096], strides = [1, 1]} : vector<3x4096xf32> to vector<1x4096xf32>
    %slice3A_9 = vector.extract_strided_slice %get3A_8 {offsets = [1, 0], sizes = [1, 4096], strides = [1, 1]} : vector<3x4096xf32> to vector<1x4096xf32>
    %slice3A_10 = vector.extract_strided_slice %get3A_8 {offsets = [2, 0], sizes = [1, 4096], strides = [1, 1]} : vector<3x4096xf32> to vector<1x4096xf32>
    %iota3A = tpu.iota {dimensions = array<i32: 1>} : vector<1x4096xi32>
    %iota3A_11 = tpu.iota {dimensions = array<i32: 1>} : vector<1x512xi32>
    %iota3A_12 = tpu.iota {dimensions = array<i32: 1>} : vector<1x512xi32>
    %broadcast_in_dim3A = arith.constant 0 : i32
    %broadcast_in_dim3A_13 = vector.broadcast %broadcast_in_dim3A : i32 to vector<1x512xi32>
    %scan3A = arith.constant 0xFF800000 : f32
    %scan3A_14 = arith.constant 0 : i32
    %scan3A_15 = arith.constant 512 : i32
    %scan3A_16 = arith.addi %scan3A_14, %scan3A_15 : i32
    %scan3A_17 = arith.constant 1 : i32
    %scan3A_18:2 = scf.for %scan3A_54 = %scan3A_14 to %scan3A_16 step %scan3A_17 iter_args(%scan3A_55 = %get3A_3, %scan3A_56 = %broadcast_in_dim3A_13) -> (vector<1x4096xf32>, vector<1x512xi32>)  : i32 {
      %reduce_max3A = vector.shape_cast %scan3A_55 : vector<1x4096xf32> to vector<1x1x4096xf32>
      %reduce_max3A_57 = arith.constant dense<0xFF800000> : vector<1xf32>
      %reduce_max3A_58 = vector.multi_reduction <maximumf>, %reduce_max3A, %reduce_max3A_57 [1, 2] : vector<1x1x4096xf32> to vector<1xf32>
      %reduce_max3A_59 = vector.shape_cast %reduce_max3A_58 : vector<1xf32> to vector<1x1x1xf32>
      %reduce_max3A_60 = vector.extract %reduce_max3A_59[0, 0, 0] : f32 from vector<1x1x1xf32>
      %eq3A_61 = vector.broadcast %reduce_max3A_60 : f32 to vector<1x4096xf32>
      %eq3A_62 = arith.cmpf oeq, %scan3A_55, %eq3A_61 : vector<1x4096xf32>
      %jit3A = arith.constant 4096 : i32
      %broadcast_in_dim3A_63 = vector.broadcast %jit3A : i32 to vector<1x4096xi32>
      %select_n3A_64 = arith.select %eq3A_62, %iota3A, %broadcast_in_dim3A_63 : vector<1x4096xi1>, vector<1x4096xi32>
      %reduce_min3A = vector.shape_cast %select_n3A_64 : vector<1x4096xi32> to vector<1x1x4096xi32>
      %reduce_min3A_65 = arith.constant dense<2147483647> : vector<1xi32>
      %reduce_min3A_66 = vector.multi_reduction <minsi>, %reduce_min3A, %reduce_min3A_65 [1, 2] : vector<1x1x4096xi32> to vector<1xi32>
      %reduce_min3A_67 = vector.shape_cast %reduce_min3A_66 : vector<1xi32> to vector<1x1x1xi32>
      %reduce_min3A_68 = vector.extract %reduce_min3A_67[0, 0, 0] : i32 from vector<1x1x1xi32>
      %eq3A_69 = vector.broadcast %scan3A_54 : i32 to vector<1x512xi32>
      %eq3A_70 = arith.cmpi eq, %iota3A_11, %eq3A_69 : vector<1x512xi32>
      %broadcast_in_dim3A_71 = vector.broadcast %reduce_min3A_68 : i32 to vector<1x512xi32>
      %select_n3A_72 = arith.select %eq3A_70, %broadcast_in_dim3A_71, %scan3A_56 : vector<1x512xi1>, vector<1x512xi32>
      %eq3A_73 = vector.broadcast %reduce_min3A_68 : i32 to vector<1x4096xi32>
      %eq3A_74 = arith.cmpi eq, %iota3A, %eq3A_73 : vector<1x4096xi32>
      %broadcast_in_dim3A_75 = vector.broadcast %scan3A : f32 to vector<1x4096xf32>
      %select_n3A_76 = arith.select %eq3A_74, %broadcast_in_dim3A_75, %scan3A_55 : vector<1x4096xi1>, vector<1x4096xf32>
      scf.yield %select_n3A_76, %select_n3A_72 : vector<1x4096xf32>, vector<1x512xi32>
    }
    %scan3A_19 = arith.constant 512 : i32
    %swap3A = arith.constant 0 : index
    %swap3A_20 = arith.constant 0 : index
    %swap3A_21 = arith.constant 0 : index
    %swap3A_22 = vector.load %arg4[%swap3A, %swap3A_20, %swap3A_21] : memref<1x1x512xi32, #tpu.memory_space<vmem>>, vector<1x1x512xi32>
    %swap3A_23 = vector.shape_cast %swap3A_22 : vector<1x1x512xi32> to vector<1x512xi32>
    %swap3A_24 = vector.shape_cast %scan3A_18#1 : vector<1x512xi32> to vector<1x1x512xi32>
    tpu.vector_store %arg4[%swap3A, %swap3A_20, %swap3A_21], %swap3A_24 {strides = array<i32>} : memref<1x1x512xi32, #tpu.memory_space<vmem>>, vector<1x1x512xi32>,
    %eq3A = arith.constant 0xFF800000 : f32
    %eq3A_25 = vector.broadcast %eq3A : f32 to vector<1x4096xf32>
    %eq3A_26 = arith.cmpf oeq, %scan3A_18#0, %eq3A_25 : vector<1x4096xf32>
    %get3A_27 = arith.constant 0 : index
    %get3A_28 = arith.constant 0 : index
    %get3A_29 = vector.load %arg3[%get3A_27, %get3A_28] : memref<1x1xf32, #tpu.memory_space<vmem>>, vector<1x1xf32>
    %get3A_30 = vector.extract %get3A_29[0, 0] : f32 from vector<1x1xf32>
    %add3A = arith.constant 1.000000e+00 : f32
    %add3A_31 = arith.addf %get3A_30, %add3A : f32
    %broadcast_in_dim3A_32 = vector.broadcast %add3A_31 : f32 to vector<1x4096xf32>
    %select_n3A = arith.select %eq3A_26, %broadcast_in_dim3A_32, %slice3A : vector<1x4096xi1>, vector<1x4096xf32>
    %broadcast_in_dim3A_33 = vector.broadcast %add3A_31 : f32 to vector<1x4096xf32>
    %select_n3A_34 = arith.select %eq3A_26, %broadcast_in_dim3A_33, %slice3A_9 : vector<1x4096xi1>, vector<1x4096xf32>
    %broadcast_in_dim3A_35 = vector.broadcast %add3A_31 : f32 to vector<1x4096xf32>
    %select_n3A_36 = arith.select %eq3A_26, %broadcast_in_dim3A_35, %slice3A_10 : vector<1x4096xi1>, vector<1x4096xf32>
    %broadcast_in_dim3A_37 = arith.constant 1.000000e+10 : f32
    %broadcast_in_dim3A_38 = vector.broadcast %broadcast_in_dim3A_37 : f32 to vector<1x4096xf32>
    %broadcast_in_dim3A_39 = arith.constant 0 : i32
    %broadcast_in_dim3A_40 = vector.broadcast %broadcast_in_dim3A_39 : i32 to vector<1x512xi32>
    %scan3A_41 = arith.constant 0 : i32
    %scan3A_42 = arith.constant 0 : i32
    %scan3A_43 = arith.constant 512 : i32
    %scan3A_44 = arith.addi %scan3A_42, %scan3A_43 : i32
    %scan3A_45 = arith.constant 1 : i32
    %scan3A_46:3 = scf.for %scan3A_54 = %scan3A_42 to %scan3A_44 step %scan3A_45 iter_args(%scan3A_55 = %broadcast_in_dim3A_38, %scan3A_56 = %scan3A_41, %scan3A_57 = %broadcast_in_dim3A_40) -> (vector<1x4096xf32>, i32, vector<1x512xi32>)  : i32 {
      %eq3A_58 = vector.broadcast %scan3A_54 : i32 to vector<1x512xi32>
      %eq3A_59 = arith.cmpi eq, %iota3A_12, %eq3A_58 : vector<1x512xi32>
      %broadcast_in_dim3A_60 = vector.broadcast %scan3A_56 : i32 to vector<1x512xi32>
      %select_n3A_61 = arith.select %eq3A_59, %broadcast_in_dim3A_60, %scan3A_57 : vector<1x512xi1>, vector<1x512xi32>
      %eq3A_62 = vector.broadcast %scan3A_56 : i32 to vector<1x4096xi32>
      %eq3A_63 = arith.cmpi eq, %iota3A, %eq3A_62 : vector<1x4096xi32>
      %jit3A = arith.constant 0.000000e+00 : f32
      %broadcast_in_dim3A_64 = vector.broadcast %jit3A : f32 to vector<1x4096xf32>
      %select_n3A_65 = arith.select %eq3A_63, %select_n3A, %broadcast_in_dim3A_64 : vector<1x4096xi1>, vector<1x4096xf32>
      %reduce_sum3A = vector.shape_cast %select_n3A_65 : vector<1x4096xf32> to vector<1x1x4096xf32>
      %reduce_sum3A_66 = arith.constant dense<0.000000e+00> : vector<1xf32>
      %reduce_sum3A_67 = vector.multi_reduction <add>, %reduce_sum3A, %reduce_sum3A_66 [1, 2] : vector<1x1x4096xf32> to vector<1xf32>
      %reduce_sum3A_68 = vector.shape_cast %reduce_sum3A_67 : vector<1xf32> to vector<1x1x1xf32>
      %reduce_sum3A_69 = vector.extract %reduce_sum3A_68[0, 0, 0] : f32 from vector<1x1x1xf32>
      %jit3A_70 = arith.constant 0.000000e+00 : f32
      %broadcast_in_dim3A_71 = vector.broadcast %jit3A_70 : f32 to vector<1x4096xf32>
      %select_n3A_72 = arith.select %eq3A_63, %select_n3A_34, %broadcast_in_dim3A_71 : vector<1x4096xi1>, vector<1x4096xf32>
      %reduce_sum3A_73 = vector.shape_cast %select_n3A_72 : vector<1x4096xf32> to vector<1x1x4096xf32>
      %reduce_sum3A_74 = arith.constant dense<0.000000e+00> : vector<1xf32>
      %reduce_sum3A_75 = vector.multi_reduction <add>, %reduce_sum3A_73, %reduce_sum3A_74 [1, 2] : vector<1x1x4096xf32> to vector<1xf32>
      %reduce_sum3A_76 = vector.shape_cast %reduce_sum3A_75 : vector<1xf32> to vector<1x1x1xf32>
      %reduce_sum3A_77 = vector.extract %reduce_sum3A_76[0, 0, 0] : f32 from vector<1x1x1xf32>
      %jit3A_78 = arith.constant 0.000000e+00 : f32
      %broadcast_in_dim3A_79 = vector.broadcast %jit3A_78 : f32 to vector<1x4096xf32>
      %select_n3A_80 = arith.select %eq3A_63, %select_n3A_36, %broadcast_in_dim3A_79 : vector<1x4096xi1>, vector<1x4096xf32>
      %reduce_sum3A_81 = vector.shape_cast %select_n3A_80 : vector<1x4096xf32> to vector<1x1x4096xf32>
      %reduce_sum3A_82 = arith.constant dense<0.000000e+00> : vector<1xf32>
      %reduce_sum3A_83 = vector.multi_reduction <add>, %reduce_sum3A_81, %reduce_sum3A_82 [1, 2] : vector<1x1x4096xf32> to vector<1xf32>
      %reduce_sum3A_84 = vector.shape_cast %reduce_sum3A_83 : vector<1xf32> to vector<1x1x1xf32>
      %reduce_sum3A_85 = vector.extract %reduce_sum3A_84[0, 0, 0] : f32 from vector<1x1x1xf32>
      %sub3A = vector.broadcast %reduce_sum3A_69 : f32 to vector<1x4096xf32>
      %sub3A_86 = arith.subf %select_n3A, %sub3A : vector<1x4096xf32>
      %sub3A_87 = vector.broadcast %reduce_sum3A_77 : f32 to vector<1x4096xf32>
      %sub3A_88 = arith.subf %select_n3A_34, %sub3A_87 : vector<1x4096xf32>
      %sub3A_89 = vector.broadcast %reduce_sum3A_85 : f32 to vector<1x4096xf32>
      %sub3A_90 = arith.subf %select_n3A_36, %sub3A_89 : vector<1x4096xf32>
      %mul3A = arith.mulf %sub3A_86, %sub3A_86 : vector<1x4096xf32>
      %mul3A_91 = arith.mulf %sub3A_88, %sub3A_88 : vector<1x4096xf32>
      %add3A_92 = arith.addf %mul3A, %mul3A_91 : vector<1x4096xf32>
      %mul3A_93 = arith.mulf %sub3A_90, %sub3A_90 : vector<1x4096xf32>
      %add3A_94 = arith.addf %add3A_92, %mul3A_93 : vector<1x4096xf32>
      %min3A = arith.minimumf %scan3A_55, %add3A_94 : vector<1x4096xf32>
      %reduce_max3A = vector.shape_cast %min3A : vector<1x4096xf32> to vector<1x1x4096xf32>
      %reduce_max3A_95 = arith.constant dense<0xFF800000> : vector<1xf32>
      %reduce_max3A_96 = vector.multi_reduction <maximumf>, %reduce_max3A, %reduce_max3A_95 [1, 2] : vector<1x1x4096xf32> to vector<1xf32>
      %reduce_max3A_97 = vector.shape_cast %reduce_max3A_96 : vector<1xf32> to vector<1x1x1xf32>
      %reduce_max3A_98 = vector.extract %reduce_max3A_97[0, 0, 0] : f32 from vector<1x1x1xf32>
      %eq3A_99 = vector.broadcast %reduce_max3A_98 : f32 to vector<1x4096xf32>
      %eq3A_100 = arith.cmpf oeq, %min3A, %eq3A_99 : vector<1x4096xf32>
      %jit3A_101 = arith.constant 4096 : i32
      %broadcast_in_dim3A_102 = vector.broadcast %jit3A_101 : i32 to vector<1x4096xi32>
      %select_n3A_103 = arith.select %eq3A_100, %iota3A, %broadcast_in_dim3A_102 : vector<1x4096xi1>, vector<1x4096xi32>
      %reduce_min3A = vector.shape_cast %select_n3A_103 : vector<1x4096xi32> to vector<1x1x4096xi32>
      %reduce_min3A_104 = arith.constant dense<2147483647> : vector<1xi32>
      %reduce_min3A_105 = vector.multi_reduction <minsi>, %reduce_min3A, %reduce_min3A_104 [1, 2] : vector<1x1x4096xi32> to vector<1xi32>
      %reduce_min3A_106 = vector.shape_cast %reduce_min3A_105 : vector<1xi32> to vector<1x1x1xi32>
      %reduce_min3A_107 = vector.extract %reduce_min3A_106[0, 0, 0] : i32 from vector<1x1x1xi32>
      scf.yield %min3A, %reduce_min3A_107, %select_n3A_61 : vector<1x4096xf32>, i32, vector<1x512xi32>
    }
    %scan3A_47 = arith.constant 512 : i32
    %swap3A_48 = arith.constant 0 : index
    %swap3A_49 = arith.constant 0 : index
    %swap3A_50 = arith.constant 0 : index
    %swap3A_51 = vector.load %arg5[%swap3A_48, %swap3A_49, %swap3A_50] : memref<1x1x512xi32, #tpu.memory_space<vmem>>, vector<1x1x512xi32>
    %swap3A_52 = vector.shape_cast %swap3A_51 : vector<1x1x512xi32> to vector<1x512xi32>
    %swap3A_53 = vector.shape_cast %scan3A_46#2 : vector<1x512xi32> to vector<1x1x512xi32>
    tpu.vector_store %arg5[%swap3A_48, %swap3A_49, %swap3A_50], %swap3A_53 {strides = array<i32>} : memref<1x1x512xi32, #tpu.memory_space<vmem>>, vector<1x1x512xi32>,
    return
  }
  func.func @transform_0(%arg0: i32) -> (i32, i32, i32) {
    %c0_i32 = arith.constant 0 : i32
    %c0_i32_0 = arith.constant 0 : i32
    %c0_i32_1 = arith.constant 0 : i32
    return %arg0, %c0_i32, %c0_i32_0 : i32, i32, i32
  }
  func.func @transform_1(%arg0: i32) -> (i32, i32, i32) {
    %c0_i32 = arith.constant 0 : i32
    %c0_i32_0 = arith.constant 0 : i32
    %c0_i32_1 = arith.constant 0 : i32
    return %arg0, %c0_i32, %c0_i32_0 : i32, i32, i32
  }
  func.func @transform_2(%arg0: i32) -> (i32, i32) {
    %c0_i32 = arith.constant 0 : i32
    %c0_i32_0 = arith.constant 0 : i32
    %c0_i32_1 = arith.constant 0 : i32
    return %c0_i32, %c0_i32_0 : i32, i32
  }
  func.func @transform_3(%arg0: i32) -> (i32, i32, i32) {
    %c0_i32 = arith.constant 0 : i32
    %c0_i32_0 = arith.constant 0 : i32
    %c0_i32_1 = arith.constant 0 : i32
    return %arg0, %c0_i32, %c0_i32_0 : i32, i32, i32
  }
  func.func @transform_4(%arg0: i32) -> (i32, i32, i32) {
    %c0_i32 = arith.constant 0 : i32
    %c0_i32_0 = arith.constant 0 : i32
    %c0_i32_1 = arith.constant 0 : i32
    return %arg0, %c0_i32, %c0_i32_0 : i32, i32, i32
  }
}

</mosaic_0001>

<sc_bundles>
// kernel: gather_offload_async_start.1
scs
__scs_entry_jumppad:
0x0: {  	(pc) =	sbr.rel $0x88, $3  }
0x1: {  	(tag) =	ssettag $0x0;
	lr =	simm.s32 $0x1  }
0x2: {  	[smem:$0x3F9A] =	sst lr;
	_ =	strace $0xD0000000  }
0x3: {  	_ = 	snop  }
0x4: {  	_ = 	snop  }
0x5: {  	_ = 	snop  }
0x6: {  	_ = 	snop  }
0x7: {  	_ = 	snop  }
__scs_overlays_trampoline_lowered:
0x8: {  	[smem:$0x3FA9] =	sst s0  }
0x9: {  	[smem:$0x3FAA] =	sst s1  }
0xa: {  	[smem:$0x3FAB] =	sst s2  }
0xb: {  	[smem:$0x3FAC] =	sst s3  }
0xc: {  	[smem:$0x3FAD] =	sst s4  }
0xd: {  	[smem:$0x3FAE] =	sst s5  }
0xe: {  	[smem:$0x3FAF] =	sst s6  }
0xf: {  	[smem:$0x3FB0] =	sst s7  }
0x10: {  	[smem:$0x3FB1] =	sst s8  }
0x11: {  	[smem:$0x3FB2] =	sst s9;
	s0 =	simm.s32 @!p0 $0x0  }
0x12: {  	s1 =	sld [smem:$0x3F98];
	s0 =	simm.s32 @p0 $0x1  }
0x13: {  	[smem:$0x3FB3] =	sst s0;
	s0 =	simm.s32 @!p1 $0x0  }
0x14: {  	s2 =	sld [smem:$0x3F97];
	s0 =	simm.s32 @p1 $0x1  }
0x15: {  	[smem:$0x3FB4] =	sst s0;
	s0 =	simm.s32 @!p2 $0x0  }
0x16: {  	s3 =	sld [smem:$0x3FDB];
	s0 =	simm.s32 @p2 $0x1  }
0x17: {  	s4 =	simm.s32 $0x1BF5;
	[smem:$0x3FB6] =	sst s0  }
0x18: {  	s0 =	sld [smem:$0x3F99];
	_ =	swait.ge [sflag:s4], $0x0  }
0x19: {  	s7 =	sld [smem:$0x3F9A]  }
0x1a: {  	s8 =	sadd.s32 $0xFFFFE003, lr  }
0x1b: {  	s9 =	sadd.s32 $0xFFFFFEF7, lr;
	s5 =	simm.s32 $0xFFFFFFFF;
	p2 =	slt.u32 s8, $0xFFFFF086  }
0x1c: {  	p1 =	slt.u32 s9, $0xF7A;
	s5 =	simm.s32 @!p2 $0x0  }
0x1d: {  	s5 =	simm.s32 @p1 $0x1;
	p0 =	seq.s32 s7, s2  }
0x1e: {  	s7 =	smul.u32 @!p0 $0xF7A, s2;
	p2 =	seq.s32 @!p0 s5, $0x0  }
0x1f: {  	s9 =	smul.u32 $0xF7A, s1;
	s8 =	simm.s32 @!p0 $0x1BF5;
	p2 =	por !p2, p0  }
0x20: {  	[sflag:s8] =	ssyncset.s32 @!p0 $0xFFFFF086;
	s6 =	sadd.s32 @!p0 s3, s7;
	s7 =	simm.s32 @!p0 $0x108  }
0x21: {  	s3 =	sadd.s32 s3, s9;
	s6 =	sadd.s32 @!p0 $0x88, s6;
	s7 =	simm.s32 @p2 $0x1082  }
0x22: {  	[simem:s7], [sflag:s8] =	dma.local @!p0 [hbm:s6], $0xF7A  }
0x23: {  	s9 =	sor.u32 $0xD0000000, s2;
	s6 =	simm.s32 $0x108;
	_ =	swait.ge @!p0 [sflag:s8], $0x0  }
0x24: {  	s3 =	sadd.s32 $0x88, s3;
	s6 =	simm.s32 @!p1 $0x1082;
	[sflag:s4] =	ssyncset.s32 $0xFFFFF086  }
0x25: {  	[simem:s6], [sflag:s4] =	dma.local [hbm:s3], $0xF7A  }
0x26: {  	[smem:$0x3F9A] =	sst s1;
	(tag) =	ssettag s2;
	_ =	strace s9  }
0x27: {  	s1 =	sld [smem:$0x3FAA]  }
0x28: {  	s2 =	sld [smem:$0x3FAB]  }
0x29: {  	s4 =	sld [smem:$0x3FAD]  }
0x2a: {  	p0 =	seq.s32 s5, $0x0;
	s5 =	sld [smem:$0x3FAE]  }
0x2b: {  	s6 =	sld [smem:$0x3FAF]  }
0x2c: {  	s7 =	sld [smem:$0x3FB0]  }
0x2d: {  	s3 =	simm.s32 $0x108;
	s8 =	sld [smem:$0x3FB1]  }
0x2e: {  	s3 =	simm.s32 @!p0 $0x1082;
	s9 =	sld [smem:$0x3FB2]  }
0x2f: {  	lr =	sadd.s32 s0, s3;
	s0 =	sld [smem:$0x3FA9]  }
0x30: {  	s3 =	sld [smem:$0x3FAC]  }
0x31: {  	[smem:$0x3FB5] =	sst s10  }
0x32: {  	s10 =	sld [smem:$0x3FB3];
	_ =	sdelay $0x3  }
0x33: {  	p0 =	seq.s32 s10, $0x1;
	s10 =	sld [smem:$0x3FB5];
	_ =	sdelay $0x3  }
0x34: {  	[smem:$0x3FB5] =	sst s10  }
0x35: {  	s10 =	sld [smem:$0x3FB4];
	_ =	sdelay $0x3  }
0x36: {  	p1 =	seq.s32 s10, $0x1;
	s10 =	sld [smem:$0x3FB5];
	_ =	sdelay $0x3  }
0x37: {  	[smem:$0x3FB5] =	sst s10  }
0x38: {  	s10 =	sld [smem:$0x3FB6]  }
0x39: {  	_ = 	snop;
	(pc) =	sbr.ind lr, $3  }
0x3a: {  	_ = 	snop  }
0x3b: {  	_ = 	snop  }
0x3c: {  	p2 =	seq.s32 s10, $0x1;
	s10 =	sld [smem:$0x3FB5]  }
0x3d: {  	_ =	shalt  }
0x3e: {  	_ =	shalt  }
0x3f: {  	_ =	shalt  }
0x40: {  	_ =	shalt  }
0x41: {  	_ =	shalt  }
0x42: {  	_ =	shalt  }
0x43: {  	_ =	shalt  }
0x44: {  	_ =	shalt  }
0x45: {  	_ =	shalt  }
0x46: {  	_ =	shalt  }
0x47: {  	_ =	shalt  }
0x48: {  	_ =	shalt  }
0x49: {  	_ =	shalt  }
0x4a: {  	_ =	shalt  }
0x4b: {  	_ =	shalt  }
0x4c: {  	_ =	shalt  }
0x4d: {  	_ =	shalt  }
0x4e: {  	_ =	shalt  }
0x4f: {  	_ =	shalt  }
0x50: {  	_ =	shalt  }
0x51: {  	_ =	shalt  }
0x52: {  	_ =	shalt  }
0x53: {  	_ =	shalt  }
0x54: {  	_ =	shalt  }
0x55: {  	_ =	shalt  }
0x56: {  	_ =	shalt  }
0x57: {  	_ =	shalt  }
0x58: {  	_ =	shalt  }
0x59: {  	_ =	shalt  }
0x5a: {  	_ =	shalt  }
0x5b: {  	_ =	shalt  }
0x5c: {  	_ =	shalt  }
0x5d: {  	_ =	shalt  }
0x5e: {  	_ =	shalt  }
0x5f: {  	_ =	shalt  }
0x60: {  	_ =	shalt  }
0x61: {  	_ =	shalt  }
0x62: {  	_ =	shalt  }
0x63: {  	_ =	shalt  }
0x64: {  	_ =	shalt  }
0x65: {  	_ =	shalt  }
0x66: {  	_ =	shalt  }
0x67: {  	_ =	shalt  }
0x68: {  	_ =	shalt  }
0x69: {  	_ =	shalt  }
0x6a: {  	_ =	shalt  }
0x6b: {  	_ =	shalt  }
0x6c: {  	_ =	shalt  }
0x6d: {  	_ =	shalt  }
0x6e: {  	_ =	shalt  }
0x6f: {  	_ =	shalt  }
0x70: {  	_ =	shalt  }
0x71: {  	_ =	shalt  }
0x72: {  	_ =	shalt  }
0x73: {  	_ =	shalt  }
0x74: {  	_ =	shalt  }
0x75: {  	_ =	shalt  }
0x76: {  	_ =	shalt  }
0x77: {  	_ =	shalt  }
0x78: {  	_ =	shalt  }
0x79: {  	_ =	shalt  }
0x7a: {  	_ =	shalt  }
0x7b: {  	_ =	shalt  }
0x7c: {  	_ =	shalt  }
0x7d: {  	_ =	shalt  }
0x7e: {  	_ =	shalt  }
0x7f: {  	_ =	shalt  }
0x80: {  	_ =	shalt  }
0x81: {  	_ =	shalt  }
0x82: {  	_ =	shalt  }
0x83: {  	_ =	shalt  }
0x84: {  	_ =	shalt  }
0x85: {  	_ =	shalt  }
0x86: {  	_ =	shalt  }
0x87: {  	_ =	shalt  }
.Lfunc_end0:
.L_simem_size_0:
called_computation.2_lowered:
.L_overlay_start_0:
0x88: {  	s2 =	sld [smem:$0x3FD9]  }
0x89: {  	s3 =	sld [smem:$0x3FFE];
	_ =	sdelay $0x1  }
0x8a: {  	s1 =	srdreg.scid  }
0x8b: {  	s0 =	sand.u32 $0x1, s1  }
0x8c: {  	s16 =	sshll.u32 s0, $0xA;
	s2 =	sadd.s32 s3, s2  }
0x8d: {  	s2 =	sadd.s32 s2, s16  }
0x8e: {  	[smem:$0x3FC1] =	sst s2  }
0x8f: {  	_ = 	snop  }
0x90: {  	(tm) =	ssettm $0x1  }
0x91: {  	s17 =	sld [smem:$0x3FFB];
	_ =	sdelay $0x3  }
0x92: {  	_ =	strace s17  }
0x93: {  	s2 =	sld [smem:$0x3FFC];
	_ =	sdelay $0x3  }
0x94: {  	_ =	strace s2  }
0x95: {  	s2 =	sld [smem:$0x3FFD];
	_ =	sdelay $0x3  }
0x96: {  	_ =	strace s2  }
0x97: {  	_ =	strace $0x8FFFFFFF  }
0x98: {  	s18 =	sld [smem:$0x3FDB];
	_ =	sdelay $0x1  }
0x99: {  	s19 =	simm.s32 $_scs_section_size  }
0x9a: {  	s4 =	simm.s32 $_size__tile_overlayer_lowered;
	s5 =	simm.s32 $_tile_overlayer_lowered  }
0x9b: {  	s22 =	simm.s32 $0x1BFF;
	s21 =	sshll.u32 s5, $0x1;
	s2 =	sadd.s32 s19, s18  }
0x9c: {  	s6 =	simm.s32 $0x0;
	s20 =	sshll.u32 s4, $0x1;
	s4 =	sadd.s32 s21, s2  }
0x9d: {  	[timem:s6], [sflag:s22] =	dma.local [hbm:s4], s20  }
0x9e: {  	_ =	swait.ge [sflag:s22], s20  }
0x9f: {  	s3 =	ssub.s32 $0x0, s20;
	[sflag:s22] =	ssyncset.done $0x0  }
0xa0: {  	[sflag:s22] =	ssyncadd.s32 s3;
	_ =	sdelay $0x1  }
0xa1: {  	s23 =	simm.s32 $0x1B8B  }
0xa2: {  	_ =	swait.ge [sflag:s23], $0x1  }
0xa3: {  	[sflag:s23] =	ssyncset.done $0x0  }
0xa4: {  	s25 =	simm.s32 $0x1B8E;
	s24 =	sld [smem:$0x3FFE];
	[sflag:s23] =	ssyncadd.s32 $0xFFFFFFFF  }
0xa5: {  	s26 =	simm.s32 $execute0_lowered;
	[smem:$0x3FD2] =	sst s25  }
0xa6: {  	s4 =	sshll.u32 s26, $0x1;
	_ =	strace $0x80000049;
	[dreg:$0x1] =	wrdreg $0xFFFFFFFF  }
0xa7: {  	s28 =	simm.s32 $_size_execute0_lowered;
	s2 =	sadd.s32 s2, s4;
	[dreg:$0x0] =	wrdreg $0x0  }
0xa8: {  	s4 =	sshll.u32 s28, $0x1;
	[dreg:$0x2] =	wrdreg s2  }
0xa9: {  	[dreg:$0x3] =	wrdreg s4  }
0xaa: {  	[dreg:$0x4] =	wrdreg $0xC0  }
0xab: {  	_ =	task [dreg:s6], $0x5FFFF  }
0xac: {  	[dreg:$0x1] =	wrdreg $0xFFFFFFFF  }
0xad: {  	[dreg:$0x0] =	wrdreg $0x60  }
0xae: {  	[dreg:$0x2] =	wrdreg s24  }
0xaf: {  	[dreg:$0x3] =	wrdreg $0x9  }
0xb0: {  	_ =	task.clear_ibuf [dreg:s6], $0x4FFFF;
	_ =	strace $0x90000049  }
0xb1: {  	s29 =	simm.s32 $0x9;
	_ =	strace $0x8000004B  }
0xb2: {  	_ =	swait.ge [sflag:s29], $0x1  }
0xb3: {  	[sflag:s29] =	ssyncadd.s32 $0xFFFFFFFF  }
0xb4: {  	_ =	strace $0x9000004B  }
0xb5: {  	_ =	sfence  }
0xb6: {  	s30 =	sld [smem:$0x0];
	_ =	sdelay $0x2  }
0xb7: {  	s31 =	sshll.u32 s1, $0xD;
	s1 =	sshrl.u32 s1, $0x2  }
0xb8: {  	s3 =	sand.u32 $0x4000, s31;
	s1 =	sadd.s32 s1, s30  }
0xb9: {  	s0 =	sor.u32 s3, s0;
	s1 =	sshll.u32 s1, $0x11  }
0xba: {  	s0 =	sor.u32 s1, s0  }
0xbb: {  	s0 =	sadd.s32 $0x8F2B, s0  }
0xbc: {  	[sflag:s0] =	ssyncadd.remote.s32 $0x1  }
0xbd: {  	_ =	sfence.sel $0xFFFF  }
0xbe: {  	[dreg:$0x0] =	wrdreg $0xFFFFFFFF;
	(pc) =	sbr.abs _section_cstart, $3  }
0xbf: {  	[dreg:$0x1] =	wrdreg $0xFFFFFFFF  }
0xc0: {  	_ =	task.clear_ibuf [dreg:s6], $0x2FFFF;
	_ =	strace $0x9FFFFFFF  }
0xc1: {  	(tm) =	ssettm $0x7FFFFFFF  }
tec
execute0_lowered:
.L_overlay_start_1:
0x0: {  	(tag) =	ssettag $0x1  }
0x1: {  	s0 =	srdreg.scid;
	s5 =	rddreg [dreg:$0x0]  }
0x2: {  	s1 =	stileid.u32;
	s6 =	simm.s32 $0x1;
	s9 =	simm.s32 $0x1  }
0x3: {  	s10 =	simm.s32 $0x3;
	s13 =	simm.s32 $0x0;
	s2 =	sshll.u32 s0, $0xB  }
0x4: {  	s12 =	simm.s32 $0x0;
	s3 =	sshll.u32 s1, $0xC;
	s2 =	sand.u32 $0x800, s2  }
0x5: {  	s0 =	rddreg [dreg:$0x1];
	_ =	strace $0x8000004A;
	s2 =	sor.u32 s3, s2  }
0x6: {  	s4 =	sadd.s32 $0x91000, s5;
	[sflag:s6] =	ssyncpa.u1 $0x0;
	s8 =	ssub.s32 $0x20000, s2  }
.Ltmp0:
0x7: {  	s3 =	sadd.s32 $0x21000, s5;
	s7 =	sand.u32 $0xF800, s8;
	(pc) =	sbr.rel .LBB2_1-.Ltmp0, $4  }
0x8: {  	s5 =	sadd.s32 $0x95000, s5;
	s11 =	smov.u32 s2;
	p0 =	sne.s32 s7, $0x0  }
0x9: {  	s8 =	sshrl.u32 s8, $0x10;
	s7 =	simm.s32 $0x2;
	s9 =	simm.s32 @!p0 $0x0  }
0xa: {  	[sflag:s7] =	ssyncpa.u1 $0x0;
	p0 =	por $0x0, $0x0;
	s8 =	sadd.s32 s9, s8  }
0xb: {  	vm0 =	vmmov $0xffff;
	[sflag:s10] =	ssyncpa.u1 $0x0;
	s10 =	simm.s32 $0x0;
	s9 =	sadd.s32 $0x1, s8  }
.LBB2_4:
0xc: {  	v3 =	vshrl.u32 v0, $0xD;
	v62 =	vshll.u32 v0, $0x13;
	v2 =	vand.u32 $0x7FF80, v2  }
0xd: {  	v3 =	vand.u32 $0x3F, v3;
	v0 =	vand.u32 $0x80000, v62;
	v2 =	vsel vm1, $0xFFFFFF80, v2  }
0xe: {  	v3 =	vsel vm1, $0xFFFFFFFF, v3;
	v0 =	vsel vm1, $0xFFF80000, v0;
	v4 =	vand.u32 $0xFFFFFC00, v2  }
0xf: {  	v0 =	vadd.s32 v0, v4;
	v63 =	vand.u32 $0xFFFFFC00, v3  }
0x10: {  	v2 =	vand.u32 $0x380, v2;
	v0 =	vadd.s32 v63, v0  }
0x11: {  	v3 =	vand.u32 $0x7F, v3;
	v0 =	vor.u32 v2, v0  }
0x12: {  	v0 =	vor.u32 v3, v0;
	_ =	sdelay $0x1  }
0x13: {  	(ifvalue) =	ssetifvalue $0x7FFFFFFF;
	s15 =	sadd.s32 $0x10, s15  }
0x14: {  	[tilespmem:s15], [sflag:$0x1] =	stream.indirect_vreg.gather [hbm4b:s3+s10], $0x1, v1, vm0, $0x4038;
	[tilespmem:$0x2000] =	vst v63  }
0x15: {  	(ifvalue) =	ssetifvalue $0x7FFFFFFF;
	s15 =	sadd.s32 $0x10, s15  }
0x16: {  	[tilespmem:s15], [sflag:$0x1] =	stream.indirect_vreg.gather [hbm4b:s3+s10], $0x1, v0, vm0, $0x4038;
	[tilespmem:$0x2000] =	vst v63  }
0x17: {  	_ =	swait.ge [sflag:s6], $0x800  }
0x18: {  	s30 =	sshrl.u32 s13, $0x3;
	[sflag:s6] =	ssyncset.done $0x0  }
0x19: {  	s31 =	sand.u32 $0x7, s13;
	s15 =	sadd.s32 s5, s30;
	[sflag:s6] =	ssyncadd.s32 $0xFFFFF800  }
0x1a: {  	[hbm4b:s15+s31] =	stream.linear.scatter [tilespmem:s14], [sflag:$0x3], $0x800, $0x38;
	[tilespmem:$0x2000] =	vst v63  }
.LBB2_5:
0x1b: {  	s15 =	sadd.s32 $0x10000, s11  }
0x1c: {  	p2 =	sgt.s32 s15, $0x1FFFF  }
0x1d: {  	s15 =	smov.u32 @p2 s2;
	p2 =	sne.s32 s12, s9  }
.Ltmp1:
0x1e: {  	p1 =	slt.u32 s12, $0x2;
	(pc) =	sbr.rel @!p2 .LBB2_6-.Ltmp1, $4  }
0x1f: {  	s14 =	simm.s32 @!p1 $0x3  }
0x20: {  	s16 =	sadd.s32 $0x1, s12;
	_ =	swait.ge @!p1 [sflag:s14], $0x800  }
0x21: {  	s13 =	smov.u32 s11;
	p0 =	por !p0, !p0;
	[sflag:s14] =	ssyncset.done @!p1 $0x0  }
0x22: {  	s12 =	smov.u32 s16;
	s11 =	smov.u32 s15;
	[sflag:s14] =	ssyncadd.s32 @!p1 $0xFFFFF800  }
.LBB2_1:
0x23: {  	p1 =	sge.u32 s12, s8  }
0x24: {  	s14 =	sxor.u32 @!p1 $0xFFFFFFFF, s12  }
0x25: {  	s31 =	sadd.s32 $0xFFFFFFFF, s12;
	s15 =	sshrl.u32 @!p1 s11, $0x3;
	s14 =	sshll.u32 @!p1 s14, $0xB  }
0x26: {  	s16 =	sand.u32 @!p1 $0x7, s11;
	s15 =	sadd.s32 @!p1 s4, s15;
	s14 =	sand.u32 @!p1 $0x800, s14  }
0x27: {  	[tilespmem:s14], [sflag:$0x2] =	stream.linear.gather @!p1 [hbm4b:s15+s16], $0x800, $0x38;
	[tilespmem:$0x2000] =	vst v63  }
0x28: {  	p1 =	sge.u32 s31, s8  }
.Ltmp2:
0x29: {  	_ = 	snop;
	(pc) =	sbr.rel @p1 .LBB2_5-.Ltmp2, $1  }
0x2a: {  	_ =	sdelay $0x3  }
0x2b: {  	s14 =	simm.s32 $0x1  }
0x2c: {  	_ =	swait.ge [sflag:s7], $0x800;
	s14 =	simm.s32 @!p0 $0x0  }
0x2d: {  	[sflag:s7] =	ssyncset.done $0x0;
	s14 =	sshll.u32 s14, $0xB  }
0x2e: {  	[sflag:s7] =	ssyncadd.s32 $0xFFFFF800;
	(ifvalue) =	ssetifvalue $0x7FFFFFFF;
	v0 =	vld.msk [tilespmem:s14+$0x0 ss:$0x1], $0xffff;
	_ =	sdelay $0x2  }
0x2f: {  	s15 =	sadd.s32 $0x10, s14  }
0x30: {  	v3 =	vld.msk [tilespmem:s15+$0x0 ss:$0x1], $0xffff  }
0x31: {  	vm1 =	veq.s32 v0, $0x80000000;
	v1 =	vshll.u32 v0, $0x6  }
0x32: {  	v2 =	vshrl.u32 v0, $0xD;
	v0 =	vshll.u32 v0, $0x13;
	v1 =	vand.u32 $0x7FF80, v1  }
0x33: {  	v2 =	vand.u32 $0x3F, v2;
	v0 =	vand.u32 $0x80000, v0;
	v1 =	vsel vm1, $0xFFFFFF80, v1  }
0x34: {  	v2 =	vsel vm1, $0xFFFFFFFF, v2;
	v0 =	vsel vm1, $0xFFF80000, v0;
	v4 =	vand.u32 $0xFFFFFC00, v1  }
0x35: {  	v62 =	vshrl.u32 v3, $0xD;
	v61 =	vand.u32 $0xFFFFFC00, v2;
	v0 =	vadd.s32 v0, v4  }
0x36: {  	vm1 =	veq.s32 v3, $0x80000000;
	v1 =	vand.u32 $0x380, v1;
	v0 =	vadd.s32 v61, v0  }
0x37: {  	v2 =	vand.u32 $0x7F, v2;
	v0 =	vor.u32 v1, v0;
	v1 =	vshll.u32 v3, $0x6  }
0x38: {  	s17 =	sadd.s32 $0x10, s15;
	v4 =	vand.u32 $0x3F, v62;
	v3 =	vshll.u32 v3, $0x13;
	v1 =	vand.u32 $0x7FF80, v1  }
0x39: {  	v2 =	vor.u32 v2, v0;
	v0 =	vld.msk [tilespmem:s17+$0x0 ss:$0x1], $0xffff;
	v3 =	vand.u32 $0x80000, v3;
	v1 =	vsel vm1, $0xFFFFFF80, v1  }
0x3a: {  	v4 =	vsel vm1, $0xFFFFFFFF, v4;
	v3 =	vsel vm1, $0xFFF80000, v3;
	v5 =	vand.u32 $0xFFFFFC00, v1  }
0x3b: {  	s31 =	sshll.u32 s12, $0xB;
	v63 =	vand.u32 $0xFFFFFC00, v4;
	v3 =	vadd.s32 v3, v5  }
0x3c: {  	s16 =	simm.s32 $0x20;
	s15 =	sor.u32 $0x1000, s14;
	s14 =	sand.u32 $0x800, s31;
	v1 =	vand.u32 $0x380, v1;
	v3 =	vadd.s32 v63, v3  }
0x3d: {  	s14 =	sor.u32 $0x1000, s14;
	v4 =	vand.u32 $0x7F, v4;
	(ifvalue) =	ssetifvalue $0x7FFFFFFF;
	s17 =	sadd.s32 $0x10, s17;
	v1 =	vor.u32 v1, v3  }
0x3e: {  	[tilespmem:s15], [sflag:$0x1] =	stream.indirect_vreg.gather [hbm4b:s3+s10], $0x1, v2, vm0, $0x4038;
	vm1 =	veq.s32 v0, $0x80000000;
	v2 =	vshll.u32 v0, $0x6;
	v1 =	vor.u32 v4, v1;
	[tilespmem:$0x2000] =	vst v63  }
.LBB2_3:
0x3f: {  	s16 =	sadd.s32 $0x10, s16;
	v3 =	vshrl.u32 v0, $0xD;
	v4 =	vshll.u32 v0, $0x13;
	v0 =	vld.msk [tilespmem:s17+$0x0 ss:$0x1], $0xffff;
	v2 =	vand.u32 $0x7FF80, v2  }
0x40: {  	p1 =	slt.u32 s16, $0x7F0;
	v3 =	vand.u32 $0x3F, v3;
	v4 =	vand.u32 $0x80000, v4;
	v2 =	vsel vm1, $0xFFFFFF80, v2  }
.Ltmp3:
0x41: {  	v3 =	vsel vm1, $0xFFFFFFFF, v3;
	v4 =	vsel vm1, $0xFFF80000, v4;
	v5 =	vand.u32 $0xFFFFFC00, v2;
	(pc) =	sbr.rel @p1 .LBB2_3-.Ltmp3, $4  }
0x42: {  	s15 =	sadd.s32 $0x10, s15;
	v4 =	vadd.s32 v4, v5;
	v5 =	vand.u32 $0xFFFFFC00, v3;
	(ifvalue) =	ssetifvalue $0x7FFFFFFF  }
0x43: {  	v2 =	vand.u32 $0x380, v2;
	v4 =	vadd.s32 v5, v4;
	[tilespmem:s15], [sflag:$0x1] =	stream.indirect_vreg.gather [hbm4b:s3+s10], $0x1, v1, vm0, $0x4038;
	[tilespmem:$0x2000] =	vst v63  }
0x44: {  	v1 =	vand.u32 $0x7F, v3;
	v3 =	vor.u32 v2, v4  }
0x45: {  	s17 =	sadd.s32 $0x10, s17;
	vm1 =	veq.s32 v0, $0x80000000;
	v2 =	vshll.u32 v0, $0x6;
	v1 =	vor.u32 v1, v3  }
.Ltmp4:
0x46: {  	_ = 	snop;
	(pc) =	sbr.rel .LBB2_4-.Ltmp4, $1  }
0x47: {  	_ =	sdelay $0x3  }
.LBB2_6:
0x48: {  	_ =	sfence.sel $0x180000  }
0x49: {  	s2 =	simm.s32 $0x2;
	[bflag:$0x0] =	sbarrier.arrive $0xFFFF  }
0x4a: {  	s30 =	simm.s32 $0x3;
	[sflag:s2] =	ssyncpa.u1 $0x1  }
0x4b: {  	s31 =	simm.s32 $0x1;
	[sflag:s30] =	ssyncpa.u1 $0x1  }
0x4c: {  	[sflag:s31] =	ssyncpa.u1 $0x1  }
0x4d: {  	p0 =	sne.s32 s1, $0x0;
	_ =	strace $0x9000004A  }
0x4e: {  	s0 =	sadd.s32 @!p0 $0x100000, s0;
	[bflag:$0x2] =	sbarrier.arrive $0xFFFF  }
0x4f: {  	[sflag:s0] =	ssyncadd.tile.s32 @!p0 $0x1;
	_ =	shalt  }
.Lfunc_end2:
_tile_overlayer_lowered:
.L_overlay_start_2:
0x50: {  	(tag) =	ssettag $0x2  }
0x51: {  	s0 =	rddreg [dreg:$0x0];
	s2 =	stileid.u32  }
0x52: {  	s1 =	rddreg [dreg:$0x1];
	p0 =	sne.s32 s2, $0x0  }
0x53: {  	s3 =	rddreg [dreg:$0x2];
	[bflag:$0x3] =	sbarrier.arrive $0xFFFF;
	s2 =	simm.s32 @!p0 $0x1C01  }
0x54: {  	[timem:s3], [sflag:s2] =	dma.local @!p0 [hbm:s0], s1  }
0x55: {  	s0 =	simm.s32 @!p0 $0x1  }
0x56: {  	_ =	swait.ge @!p0 [sflag:s0], s1  }
0x57: {  	s1 =	ssub.s32 @!p0 $0x0, s1;
	[sflag:s0] =	ssyncset.done @!p0 $0x0  }
0x58: {  	[sflag:s0] =	ssyncadd.s32 @!p0 s1  }
0x59: {  	[bflag:$0x3] =	sbarrier.arrive $0xFFFF  }
0x5a: {  	_ =	shalt  }

// kernel: gather_offload_async_start
scs
__scs_entry_jumppad:
0x0: {  	(pc) =	sbr.rel $0x88, $3  }
0x1: {  	(tag) =	ssettag $0x0;
	lr =	simm.s32 $0x1  }
0x2: {  	[smem:$0x3F9A] =	sst lr;
	_ =	strace $0xD0000000  }
0x3: {  	_ = 	snop  }
0x4: {  	_ = 	snop  }
0x5: {  	_ = 	snop  }
0x6: {  	_ = 	snop  }
0x7: {  	_ = 	snop  }
__scs_overlays_trampoline_lowered:
0x8: {  	[smem:$0x3FA9] =	sst s0  }
0x9: {  	[smem:$0x3FAA] =	sst s1  }
0xa: {  	[smem:$0x3FAB] =	sst s2  }
0xb: {  	[smem:$0x3FAC] =	sst s3  }
0xc: {  	[smem:$0x3FAD] =	sst s4  }
0xd: {  	[smem:$0x3FAE] =	sst s5  }
0xe: {  	[smem:$0x3FAF] =	sst s6  }
0xf: {  	[smem:$0x3FB0] =	sst s7  }
0x10: {  	[smem:$0x3FB1] =	sst s8  }
0x11: {  	[smem:$0x3FB2] =	sst s9;
	s0 =	simm.s32 @!p0 $0x0  }
0x12: {  	s1 =	sld [smem:$0x3F98];
	s0 =	simm.s32 @p0 $0x1  }
0x13: {  	[smem:$0x3FB3] =	sst s0;
	s0 =	simm.s32 @!p1 $0x0  }
0x14: {  	s2 =	sld [smem:$0x3F97];
	s0 =	simm.s32 @p1 $0x1  }
0x15: {  	[smem:$0x3FB4] =	sst s0;
	s0 =	simm.s32 @!p2 $0x0  }
0x16: {  	s3 =	sld [smem:$0x3FDB];
	s0 =	simm.s32 @p2 $0x1  }
0x17: {  	s4 =	simm.s32 $0x1BF5;
	[smem:$0x3FB6] =	sst s0  }
0x18: {  	s0 =	sld [smem:$0x3F99];
	_ =	swait.ge [sflag:s4], $0x0  }
0x19: {  	s7 =	sld [smem:$0x3F9A]  }
0x1a: {  	s8 =	sadd.s32 $0xFFFFE003, lr  }
0x1b: {  	s9 =	sadd.s32 $0xFFFFFEF7, lr;
	s5 =	simm.s32 $0xFFFFFFFF;
	p2 =	slt.u32 s8, $0xFFFFF086  }
0x1c: {  	p1 =	slt.u32 s9, $0xF7A;
	s5 =	simm.s32 @!p2 $0x0  }
0x1d: {  	s5 =	simm.s32 @p1 $0x1;
	p0 =	seq.s32 s7, s2  }
0x1e: {  	s7 =	smul.u32 @!p0 $0xF7A, s2;
	p2 =	seq.s32 @!p0 s5, $0x0  }
0x1f: {  	s9 =	smul.u32 $0xF7A, s1;
	s8 =	simm.s32 @!p0 $0x1BF5;
	p2 =	por !p2, p0  }
0x20: {  	[sflag:s8] =	ssyncset.s32 @!p0 $0xFFFFF086;
	s6 =	sadd.s32 @!p0 s3, s7;
	s7 =	simm.s32 @!p0 $0x108  }
0x21: {  	s3 =	sadd.s32 s3, s9;
	s6 =	sadd.s32 @!p0 $0x88, s6;
	s7 =	simm.s32 @p2 $0x1082  }
0x22: {  	[simem:s7], [sflag:s8] =	dma.local @!p0 [hbm:s6], $0xF7A  }
0x23: {  	s9 =	sor.u32 $0xD0000000, s2;
	s6 =	simm.s32 $0x108;
	_ =	swait.ge @!p0 [sflag:s8], $0x0  }
0x24: {  	s3 =	sadd.s32 $0x88, s3;
	s6 =	simm.s32 @!p1 $0x1082;
	[sflag:s4] =	ssyncset.s32 $0xFFFFF086  }
0x25: {  	[simem:s6], [sflag:s4] =	dma.local [hbm:s3], $0xF7A  }
0x26: {  	[smem:$0x3F9A] =	sst s1;
	(tag) =	ssettag s2;
	_ =	strace s9  }
0x27: {  	s1 =	sld [smem:$0x3FAA]  }
0x28: {  	s2 =	sld [smem:$0x3FAB]  }
0x29: {  	s4 =	sld [smem:$0x3FAD]  }
0x2a: {  	p0 =	seq.s32 s5, $0x0;
	s5 =	sld [smem:$0x3FAE]  }
0x2b: {  	s6 =	sld [smem:$0x3FAF]  }
0x2c: {  	s7 =	sld [smem:$0x3FB0]  }
0x2d: {  	s3 =	simm.s32 $0x108;
	s8 =	sld [smem:$0x3FB1]  }
0x2e: {  	s3 =	simm.s32 @!p0 $0x1082;
	s9 =	sld [smem:$0x3FB2]  }
0x2f: {  	lr =	sadd.s32 s0, s3;
	s0 =	sld [smem:$0x3FA9]  }
0x30: {  	s3 =	sld [smem:$0x3FAC]  }
0x31: {  	[smem:$0x3FB5] =	sst s10  }
0x32: {  	s10 =	sld [smem:$0x3FB3];
	_ =	sdelay $0x3  }
0x33: {  	p0 =	seq.s32 s10, $0x1;
	s10 =	sld [smem:$0x3FB5];
	_ =	sdelay $0x3  }
0x34: {  	[smem:$0x3FB5] =	sst s10  }
0x35: {  	s10 =	sld [smem:$0x3FB4];
	_ =	sdelay $0x3  }
0x36: {  	p1 =	seq.s32 s10, $0x1;
	s10 =	sld [smem:$0x3FB5];
	_ =	sdelay $0x3  }
0x37: {  	[smem:$0x3FB5] =	sst s10  }
0x38: {  	s10 =	sld [smem:$0x3FB6]  }
0x39: {  	_ = 	snop;
	(pc) =	sbr.ind lr, $3  }
0x3a: {  	_ = 	snop  }
0x3b: {  	_ = 	snop  }
0x3c: {  	p2 =	seq.s32 s10, $0x1;
	s10 =	sld [smem:$0x3FB5]  }
0x3d: {  	_ =	shalt  }
0x3e: {  	_ =	shalt  }
0x3f: {  	_ =	shalt  }
0x40: {  	_ =	shalt  }
0x41: {  	_ =	shalt  }
0x42: {  	_ =	shalt  }
0x43: {  	_ =	shalt  }
0x44: {  	_ =	shalt  }
0x45: {  	_ =	shalt  }
0x46: {  	_ =	shalt  }
0x47: {  	_ =	shalt  }
0x48: {  	_ =	shalt  }
0x49: {  	_ =	shalt  }
0x4a: {  	_ =	shalt  }
0x4b: {  	_ =	shalt  }
0x4c: {  	_ =	shalt  }
0x4d: {  	_ =	shalt  }
0x4e: {  	_ =	shalt  }
0x4f: {  	_ =	shalt  }
0x50: {  	_ =	shalt  }
0x51: {  	_ =	shalt  }
0x52: {  	_ =	shalt  }
0x53: {  	_ =	shalt  }
0x54: {  	_ =	shalt  }
0x55: {  	_ =	shalt  }
0x56: {  	_ =	shalt  }
0x57: {  	_ =	shalt  }
0x58: {  	_ =	shalt  }
0x59: {  	_ =	shalt  }
0x5a: {  	_ =	shalt  }
0x5b: {  	_ =	shalt  }
0x5c: {  	_ =	shalt  }
0x5d: {  	_ =	shalt  }
0x5e: {  	_ =	shalt  }
0x5f: {  	_ =	shalt  }
0x60: {  	_ =	shalt  }
0x61: {  	_ =	shalt  }
0x62: {  	_ =	shalt  }
0x63: {  	_ =	shalt  }
0x64: {  	_ =	shalt  }
0x65: {  	_ =	shalt  }
0x66: {  	_ =	shalt  }
0x67: {  	_ =	shalt  }
0x68: {  	_ =	shalt  }
0x69: {  	_ =	shalt  }
0x6a: {  	_ =	shalt  }
0x6b: {  	_ =	shalt  }
0x6c: {  	_ =	shalt  }
0x6d: {  	_ =	shalt  }
0x6e: {  	_ =	shalt  }
0x6f: {  	_ =	shalt  }
0x70: {  	_ =	shalt  }
0x71: {  	_ =	shalt  }
0x72: {  	_ =	shalt  }
0x73: {  	_ =	shalt  }
0x74: {  	_ =	shalt  }
0x75: {  	_ =	shalt  }
0x76: {  	_ =	shalt  }
0x77: {  	_ =	shalt  }
0x78: {  	_ =	shalt  }
0x79: {  	_ =	shalt  }
0x7a: {  	_ =	shalt  }
0x7b: {  	_ =	shalt  }
0x7c: {  	_ =	shalt  }
0x7d: {  	_ =	shalt  }
0x7e: {  	_ =	shalt  }
0x7f: {  	_ =	shalt  }
0x80: {  	_ =	shalt  }
0x81: {  	_ =	shalt  }
0x82: {  	_ =	shalt  }
0x83: {  	_ =	shalt  }
0x84: {  	_ =	shalt  }
0x85: {  	_ =	shalt  }
0x86: {  	_ =	shalt  }
0x87: {  	_ =	shalt  }
.Lfunc_end0:
.L_simem_size_0:
called_computation.1_lowered:
.L_overlay_start_0:
0x88: {  	s2 =	sld [smem:$0x3FD9]  }
0x89: {  	s3 =	sld [smem:$0x3FFE];
	_ =	sdelay $0x1  }
0x8a: {  	s1 =	srdreg.scid  }
0x8b: {  	s0 =	sand.u32 $0x1, s1  }
0x8c: {  	s14 =	sshll.u32 s0, $0xA;
	s2 =	sadd.s32 s3, s2  }
0x8d: {  	s2 =	sadd.s32 s2, s14  }
0x8e: {  	[smem:$0x3FC1] =	sst s2  }
0x8f: {  	_ = 	snop  }
0x90: {  	s2 =	sld [smem:$0x3FD0];
	_ =	sdelay $0x2  }
0x91: {  	s15 =	simm.s32 $0xA;
	s4 =	simm.s32 $0x10  }
0x92: {  	[smem:s4], [sflag:s15] =	dma.local [hbm:s2], $0x1  }
0x93: {  	_ =	swait.eq [sflag:s15], $0x1  }
0x94: {  	[sflag:s15] =	ssyncset.done $0x0  }
0x95: {  	[sflag:s15] =	ssyncadd.s32 $0xFFFFFFFF  }
0x96: {  	s16 =	sld [smem:$0x10];
	(tm) =	ssettm $0x1  }
0x97: {  	s17 =	sld [smem:$0x3FFB];
	_ =	sdelay $0x3  }
0x98: {  	_ =	strace s17  }
0x99: {  	s3 =	sld [smem:$0x3FFC];
	_ =	sdelay $0x3  }
0x9a: {  	_ =	strace s3  }
0x9b: {  	s3 =	sld [smem:$0x3FFD];
	_ =	sdelay $0x3  }
0x9c: {  	_ =	strace s3  }
0x9d: {  	_ =	strace $0x8FFFFFFF  }
0x9e: {  	s18 =	sld [smem:$0x3FDB];
	_ =	sdelay $0x1  }
0x9f: {  	s19 =	simm.s32 $_scs_section_size  }
0xa0: {  	s5 =	simm.s32 $_size__tile_overlayer_lowered;
	s6 =	simm.s32 $_tile_overlayer_lowered  }
0xa1: {  	s22 =	simm.s32 $0x1BFF;
	s21 =	sshll.u32 s6, $0x1;
	s3 =	sadd.s32 s19, s18  }
0xa2: {  	s7 =	simm.s32 $0x0;
	s20 =	sshll.u32 s5, $0x1;
	s5 =	sadd.s32 s21, s3  }
0xa3: {  	[timem:s7], [sflag:s22] =	dma.local [hbm:s5], s20  }
0xa4: {  	_ =	swait.ge [sflag:s22], s20  }
0xa5: {  	s4 =	ssub.s32 $0x0, s20;
	[sflag:s22] =	ssyncset.done $0x0  }
0xa6: {  	[sflag:s22] =	ssyncadd.s32 s4;
	_ =	sdelay $0x1  }
0xa7: {  	s23 =	simm.s32 $0x1B8B  }
0xa8: {  	_ =	swait.ge [sflag:s23], $0x1  }
0xa9: {  	[sflag:s23] =	ssyncset.done $0x0  }
0xaa: {  	s25 =	simm.s32 $0x1B8E;
	s24 =	sld [smem:$0x3FFE];
	[sflag:s23] =	ssyncadd.s32 $0xFFFFFFFF  }
0xab: {  	s26 =	simm.s32 $execute0_lowered;
	[smem:$0x3FD2] =	sst s25  }
0xac: {  	s5 =	sshll.u32 s26, $0x1;
	_ =	strace $0x8000004C;
	[dreg:$0x1] =	wrdreg $0xFFFFFFFF  }
0xad: {  	s28 =	simm.s32 $_size_execute0_lowered;
	s3 =	sadd.s32 s3, s5;
	[dreg:$0x0] =	wrdreg $0x0  }
0xae: {  	s5 =	sshll.u32 s28, $0x1;
	[dreg:$0x2] =	wrdreg s3  }
0xaf: {  	[dreg:$0x3] =	wrdreg s5  }
0xb0: {  	[dreg:$0x4] =	wrdreg $0xC0  }
0xb1: {  	_ =	task [dreg:s7], $0x5FFFF  }
0xb2: {  	[dreg:$0x1] =	wrdreg $0xFFFFFFFF  }
0xb3: {  	[dreg:$0x0] =	wrdreg $0x60  }
0xb4: {  	[dreg:$0x2] =	wrdreg s24  }
0xb5: {  	[dreg:$0x3] =	wrdreg s16  }
0xb6: {  	[dreg:$0x4] =	wrdreg $0x9  }
0xb7: {  	_ =	task.clear_ibuf [dreg:s7], $0x5FFFF;
	_ =	strace $0x9000004C  }
0xb8: {  	s29 =	simm.s32 $0x9;
	_ =	strace $0x8000004E  }
0xb9: {  	_ =	swait.ge [sflag:s29], $0x1  }
0xba: {  	[sflag:s29] =	ssyncadd.s32 $0xFFFFFFFF  }
0xbb: {  	_ =	strace $0x9000004E  }
0xbc: {  	_ =	sfence  }
0xbd: {  	s30 =	sld [smem:$0x0];
	_ =	sdelay $0x2  }
0xbe: {  	s31 =	sshll.u32 s1, $0xD;
	s1 =	sshrl.u32 s1, $0x2  }
0xbf: {  	s3 =	sand.u32 $0x4000, s31;
	s1 =	sadd.s32 s1, s30  }
0xc0: {  	s0 =	sor.u32 s3, s0;
	s1 =	sshll.u32 s1, $0x11  }
0xc1: {  	s0 =	sor.u32 s1, s0  }
0xc2: {  	s0 =	sadd.s32 $0x8F2B, s0  }
0xc3: {  	[sflag:s0] =	ssyncadd.remote.s32 $0x1  }
0xc4: {  	_ =	sfence.sel $0xFFFF  }
0xc5: {  	[dreg:$0x0] =	wrdreg $0xFFFFFFFF;
	(pc) =	sbr.abs _section_cstart, $3  }
0xc6: {  	[dreg:$0x1] =	wrdreg $0xFFFFFFFF  }
0xc7: {  	_ =	task.clear_ibuf [dreg:s7], $0x2FFFF;
	_ =	strace $0x9FFFFFFF  }
0xc8: {  	(tm) =	ssettm $0x7FFFFFFF  }
0xc9: {  	_ =	shalt  }
tec
execute0_lowered:
.L_overlay_start_1:
0x0: {  	(tag) =	ssettag $0x1  }
0x1: {  	s2 =	rddreg [dreg:$0x0]  }
0x2: {  	s3 =	rddreg [dreg:$0x1]  }
0x3: {  	s0 =	rddreg [dreg:$0x2];
	s1 =	srdreg.scid;
	_ =	strace $0x8000004D  }
0x4: {  	s4 =	simm.s32 $0x1;
	s9 =	simm.s32 $0x3;
	s5 =	sshll.u32 s1, $0x4  }
.Ltmp0:
0x5: {  	s1 =	stileid.u32;
	s5 =	sand.u32 $0x10, s5;
	(pc) =	sbr.rel .LBB2_1-.Ltmp0, $4  }
0x6: {  	s12 =	simm.s32 $0x0;
	s10 =	simm.s32 $0x0;
	s6 =	sor.u32 s1, s5  }
0x7: {  	[sflag:s4] =	ssyncpa.u1 $0x0;
	s5 =	simm.s32 $0x2;
	s6 =	sshll.u32 s6, $0x6  }
0x8: {  	s7 =	sadd.s32 $0x20000, s2;
	[sflag:s5] =	ssyncpa.u1 $0x0;
	s8 =	sadd.s32 $0x40, s6  }
0x9: {  	vm0 =	vmmov $0xff;
	vm1 =	vcmask $0x3F20;
	[sflag:s9] =	ssyncpa.u1 $0x0;
	s9 =	simm.s32 $0x40;
	s11 =	smov.u32 s6  }
.LBB2_9:
0xa: {  	p0 =	seq.s32 s10, $0x2  }
.Ltmp1:
0xb: {  	_ = 	snop;
	(pc) =	sbr.rel @p0 .LBB2_11-.Ltmp1, $1  }
0xc: {  	_ =	sdelay $0x3  }
.LBB2_10:
0xd: {  	s12 =	sadd.s32 $0x40, s11  }
0xe: {  	s13 =	smov.u32 s6;
	p0 =	slt.s32 s12, s8  }
0xf: {  	s13 =	smov.u32 @p0 s12  }
0x10: {  	s10 =	sadd.s32 $0x1, s10;
	s12 =	smov.u32 s11;
	s11 =	smov.u32 s13  }
.LBB2_1:
0x11: {  	p0 =	sne.s32 s10, $0x0  }
.Ltmp2:
0x12: {  	_ = 	snop;
	(pc) =	sbr.rel @!p0 .LBB2_2-.Ltmp2, $1  }
0x13: {  	_ =	sdelay $0x3  }
0x14: {  	s13 =	sand.u32 $0x1, s10  }
0x15: {  	p0 =	seq.s32 s13, $0x0  }
.Ltmp3:
0x16: {  	_ = 	snop;
	(pc) =	sbr.rel @p0 .LBB2_9-.Ltmp3, $1  }
0x17: {  	_ =	sdelay $0x3  }
0x18: {  	_ =	swait.ge [sflag:s5], $0x40  }
0x19: {  	[sflag:s5] =	ssyncset.done $0x0  }
0x1a: {  	s13 =	simm.s32 $0x0;
	[sflag:s5] =	ssyncadd.s32 $0xFFFFFFC0  }
0x1b: {  	v0 =	vld.msk [tilespmem:s13+$0x40 ss:$0x1], $0xffff;
	_ =	sdelay $0x4  }
0x1c: {  	v1 =	vshll.u32 v0, $0x6  }
0x1d: {  	vm2 =	veq.s32 v0, $0x80000000;
	v0 =	vshll.u32 v0, $0x13;
	v1 =	vand.u32 $0x7FF80, v1  }
0x1e: {  	v0 =	vand.u32 $0x80000, v0;
	v1 =	vsel vm2, $0xFFFFFF80, v1  }
0x1f: {  	v0 =	vsel vm2, $0xFFF80000, v0;
	v2 =	vand.u32 $0xFFFFFC00, v1  }
0x20: {  	v1 =	vand.u32 $0x380, v1;
	v0 =	vadd.s32 v0, v2  }
0x21: {  	v0 =	vor.u32 v1, v0  }
0x22: {  	v0 =	vshrl.u32 v0, $0x3;
	_ =	sdelay $0x3  }
0x23: {  	s13 =	simm.s32 $0x2080  }
0x24: {  	[tilespmem:s13], [sflag:$0x1] =	stream.indirect_vreg.gather [hbm:s2], $0x80, v0, vm0, $0x38;
	[tilespmem:$0x4080] =	vst v63  }
0x25: {  	s14 =	simm.s32 $0x2480;
	s31 =	simm.s32 $0x10  }
0x26: {  	[tilespmem:s14], [sflag:$0x1] =	stream.indirect_vreg.gather [hbm:s2], $0x80, v0, vm1, $0x38;
	[tilespmem:$0x4080] =	vst v63  }
0x27: {  	s14 =	simm.s32 $0x80;
	v0 =	vld.msk [tilespmem:s31+$0x40 ss:$0x1], $0xffff  }
.LBB2_5:
0x28: {  	p0 =	sne.s32 s14, $0xC0;
	_ =	sdelay $0x4  }
0x29: {  	v1 =	vshll.u32 v0, $0x6  }
0x2a: {  	vm2 =	veq.s32 v0, $0x80000000;
	v0 =	vshll.u32 v0, $0x13;
	v1 =	vand.u32 $0x7FF80, v1  }
0x2b: {  	v0 =	vand.u32 $0x80000, v0;
	v1 =	vsel vm2, $0xFFFFFF80, v1  }
0x2c: {  	v0 =	vsel vm2, $0xFFF80000, v0;
	v2 =	vand.u32 $0xFFFFFC00, v1  }
0x2d: {  	v1 =	vand.u32 $0x380, v1;
	v0 =	vadd.s32 v0, v2  }
0x2e: {  	v0 =	vor.u32 v1, v0  }
0x2f: {  	v0 =	vshrl.u32 v0, $0x3;
	_ =	sdelay $0x3  }
.Ltmp4:
0x30: {  	s13 =	sadd.s32 $0x800, s13;
	(pc) =	sbr.rel @p0 .LBB2_5-.Ltmp4, $4  }
0x31: {  	[tilespmem:s13], [sflag:$0x1] =	stream.indirect_vreg.gather [hbm:s2], $0x80, v0, vm0, $0x38;
	[tilespmem:$0x4080] =	vst v63  }
0x32: {  	s15 =	sshra.s32 s14, $0x2;
	s16 =	sadd.s32 $0x400, s13  }
0x33: {  	[tilespmem:s16], [sflag:$0x1] =	stream.indirect_vreg.gather [hbm:s2], $0x80, v0, vm1, $0x38;
	[tilespmem:$0x4080] =	vst v63  }
0x34: {  	s14 =	sadd.s32 $0x40, s14;
	v0 =	vld.msk [tilespmem:s15+$0x40 ss:$0x1], $0xffff  }
0x35: {  	_ =	sdelay $0x3  }
0x36: {  	v1 =	vshll.u32 v0, $0x6  }
0x37: {  	vm2 =	veq.s32 v0, $0x80000000;
	v63 =	vshll.u32 v0, $0x13;
	v1 =	vand.u32 $0x7FF80, v1  }
0x38: {  	v0 =	vand.u32 $0x80000, v63;
	v1 =	vsel vm2, $0xFFFFFF80, v1  }
0x39: {  	v0 =	vsel vm2, $0xFFF80000, v0;
	v2 =	vand.u32 $0xFFFFFC00, v1  }
0x3a: {  	v1 =	vand.u32 $0x380, v1;
	v0 =	vadd.s32 v0, v2  }
0x3b: {  	v0 =	vor.u32 v1, v0  }
0x3c: {  	v0 =	vshrl.u32 v0, $0x3;
	_ =	sdelay $0x3  }
0x3d: {  	s13 =	sadd.s32 $0x800, s13  }
0x3e: {  	[tilespmem:s13], [sflag:$0x1] =	stream.indirect_vreg.gather [hbm:s2], $0x80, v0, vm0, $0x38;
	[tilespmem:$0x4080] =	vst v63  }
0x3f: {  	s13 =	sadd.s32 $0x400, s13  }
0x40: {  	[tilespmem:s13], [sflag:$0x1] =	stream.indirect_vreg.gather [hbm:s2], $0x80, v0, vm1, $0x38;
	[tilespmem:$0x4080] =	vst v63  }
0x41: {  	s12 =	sshll.u32 s12, $0x4;
	s14 =	simm.s32 $0x80;
	_ =	swait.ge [sflag:s4], $0x2000  }
0x42: {  	s15 =	simm.s32 $0x2480;
	s12 =	sadd.s32 s12, s7;
	[sflag:s4] =	ssyncset.done $0x0  }
0x43: {  	s16 =	sadd.s32 $0x0, s12;
	s13 =	simm.s32 $0x2080;
	[sflag:s4] =	ssyncadd.s32 $0xFFFFE000  }
.LBB2_7:
0x44: {  	[hbm:s16] =	stream.linear.scatter [tilespmem:s13], [sflag:$0x3], $0x400, $0x38;
	[tilespmem:$0x4080] =	vst v63  }
0x45: {  	s16 =	smov.u32 s14;
	s13 =	smov.u32 s15;
	p0 =	sne.s32 s14, $0x380  }
.Ltmp5:
0x46: {  	s14 =	sadd.s32 $0x80, s14;
	(pc) =	sbr.rel @p0 .LBB2_7-.Ltmp5, $2  }
0x47: {  	_ =	sdelay $0x2  }
0x48: {  	s15 =	sadd.s32 $0x400, s15;
	s16 =	sadd.s32 s16, s12  }
.Ltmp6:
0x49: {  	(pc) =	sbr.rel .LBB2_9-.Ltmp6, $2  }
0x4a: {  	_ =	sdelay $0x2  }
0x4b: {  	[hbm:s16] =	stream.linear.scatter [tilespmem:s13], [sflag:$0x3], $0x400, $0x38;
	[tilespmem:$0x4080] =	vst v63  }
.LBB2_2:
.Ltmp7:
0x4c: {  	(pc) =	sbr.rel .LBB2_10-.Ltmp7, $4  }
0x4d: {  	_ = 	snop  }
0x4e: {  	s12 =	sshrl.u32 s11, $0x3  }
0x4f: {  	s13 =	sand.u32 $0x7, s11;
	s12 =	sadd.s32 s3, s12  }
0x50: {  	[tilespmem:s9], [sflag:$0x2] =	stream.linear.gather [hbm4b:s12+s13], $0x40, $0x38;
	[tilespmem:$0x4080] =	vst v63  }
.LBB2_11:
0x51: {  	s2 =	simm.s32 $0x3  }
0x52: {  	_ =	swait.ge [sflag:s2], $0x2000  }
0x53: {  	[sflag:s2] =	ssyncset.done $0x0  }
0x54: {  	[sflag:s2] =	ssyncadd.s32 $0xFFFFE000  }
0x55: {  	_ =	sfence.sel $0x180000  }
0x56: {  	s3 =	simm.s32 $0x2;
	[bflag:$0x0] =	sbarrier.arrive $0xFFFF  }
0x57: {  	[sflag:s3] =	ssyncpa.u1 $0x1  }
0x58: {  	s31 =	simm.s32 $0x1;
	[sflag:s2] =	ssyncpa.u1 $0x1  }
0x59: {  	[sflag:s31] =	ssyncpa.u1 $0x1  }
0x5a: {  	p0 =	sne.s32 s1, $0x0;
	_ =	strace $0x9000004D  }
0x5b: {  	s0 =	sadd.s32 @!p0 $0x100000, s0;
	[bflag:$0x2] =	sbarrier.arrive $0xFFFF  }
0x5c: {  	[sflag:s0] =	ssyncadd.tile.s32 @!p0 $0x1;
	_ =	shalt  }
.Lfunc_end2:
_tile_overlayer_lowered:
.L_overlay_start_2:
0x5d: {  	(tag) =	ssettag $0x2  }
0x5e: {  	s0 =	rddreg [dreg:$0x0];
	s2 =	stileid.u32  }
0x5f: {  	s1 =	rddreg [dreg:$0x1];
	p0 =	sne.s32 s2, $0x0  }
0x60: {  	s3 =	rddreg [dreg:$0x2];
	[bflag:$0x3] =	sbarrier.arrive $0xFFFF;
	s2 =	simm.s32 @!p0 $0x1C01  }
0x61: {  	[timem:s3], [sflag:s2] =	dma.local @!p0 [hbm:s0], s1  }
0x62: {  	s0 =	simm.s32 @!p0 $0x1  }
0x63: {  	_ =	swait.ge @!p0 [sflag:s0], s1  }
0x64: {  	s1 =	ssub.s32 @!p0 $0x0, s1;
	[sflag:s0] =	ssyncset.done @!p0 $0x0  }
0x65: {  	[sflag:s0] =	ssyncadd.s32 @!p0 s1  }
0x66: {  	[bflag:$0x3] =	sbarrier.arrive $0xFFFF  }
0x67: {  	_ =	shalt  }

// kernel: sparse-core-data-format-call.cloned.1.call-start
scs
called_computation_lowered:
.L_overlay_start_0:
0x0: {  	s1 =	sld [smem:$0x3FD9]  }
0x1: {  	s2 =	sld [smem:$0x3FFE];
	_ =	sdelay $0x1  }
0x2: {  	s3 =	srdreg.scid  }
0x3: {  	s0 =	sand.u32 $0x1, s3  }
0x4: {  	s17 =	sshll.u32 s0, $0xA;
	s1 =	sadd.s32 s2, s1  }
0x5: {  	s1 =	sadd.s32 s1, s17  }
0x6: {  	[smem:$0x3FC1] =	sst s1  }
0x7: {  	_ = 	snop  }
0x8: {  	(tm) =	ssettm $0x1  }
0x9: {  	s18 =	sld [smem:$0x3FFB];
	_ =	sdelay $0x3  }
0xa: {  	_ =	strace s18  }
0xb: {  	s1 =	sld [smem:$0x3FFC];
	_ =	sdelay $0x3  }
0xc: {  	_ =	strace s1  }
0xd: {  	s1 =	sld [smem:$0x3FFD];
	_ =	sdelay $0x3  }
0xe: {  	_ =	strace s1  }
0xf: {  	_ =	strace $0x8FFFFFFF  }
0x10: {  	s19 =	sld [smem:$0x3FDB];
	_ =	sdelay $0x1  }
0x11: {  	s20 =	simm.s32 $_scs_section_size  }
0x12: {  	s4 =	simm.s32 $_size__tile_overlayer_lowered;
	s5 =	simm.s32 $_tile_overlayer_lowered  }
0x13: {  	s23 =	simm.s32 $0x1BFF;
	s22 =	sshll.u32 s5, $0x1;
	s1 =	sadd.s32 s20, s19  }
0x14: {  	s6 =	simm.s32 $0x0;
	s21 =	sshll.u32 s4, $0x1;
	s4 =	sadd.s32 s22, s1  }
0x15: {  	[timem:s6], [sflag:s23] =	dma.local [hbm:s4], s21  }
0x16: {  	_ =	swait.ge [sflag:s23], s21  }
0x17: {  	s2 =	ssub.s32 $0x0, s21;
	[sflag:s23] =	ssyncset.done $0x0  }
0x18: {  	[sflag:s23] =	ssyncadd.s32 s2;
	_ =	sdelay $0x1  }
0x19: {  	s24 =	simm.s32 $0x1B8B  }
0x1a: {  	_ =	swait.ge [sflag:s24], $0x1  }
0x1b: {  	[sflag:s24] =	ssyncset.done $0x0  }
0x1c: {  	s26 =	simm.s32 $0x1B8E;
	s25 =	sld [smem:$0x3FFE];
	[sflag:s24] =	ssyncadd.s32 $0xFFFFFFFF  }
0x1d: {  	s27 =	simm.s32 $execute0_lowered;
	[smem:$0x3FD2] =	sst s26  }
0x1e: {  	s4 =	sshll.u32 s27, $0x1;
	_ =	strace $0x80000046;
	[dreg:$0x1] =	wrdreg $0xFFFFFFFF  }
0x1f: {  	s28 =	simm.s32 $_size_execute0_lowered;
	s1 =	sadd.s32 s1, s4;
	[dreg:$0x0] =	wrdreg $0x0  }
0x20: {  	s4 =	sshll.u32 s28, $0x1;
	[dreg:$0x2] =	wrdreg s1  }
0x21: {  	[dreg:$0x3] =	wrdreg s4  }
0x22: {  	[dreg:$0x4] =	wrdreg $0xC0  }
0x23: {  	_ =	task [dreg:s6], $0x5FFFF  }
0x24: {  	[dreg:$0x1] =	wrdreg $0xFFFFFFFF  }
0x25: {  	[dreg:$0x0] =	wrdreg $0x60  }
0x26: {  	[dreg:$0x2] =	wrdreg s25  }
0x27: {  	[dreg:$0x3] =	wrdreg $0x9  }
0x28: {  	_ =	task.clear_ibuf [dreg:s6], $0x4FFFF;
	_ =	strace $0x90000046  }
0x29: {  	s29 =	simm.s32 $0x9;
	_ =	strace $0x80000048  }
0x2a: {  	_ =	swait.ge [sflag:s29], $0x1  }
0x2b: {  	[sflag:s29] =	ssyncadd.s32 $0xFFFFFFFF  }
0x2c: {  	_ =	strace $0x90000048  }
0x2d: {  	_ =	sfence  }
0x2e: {  	s30 =	sld [smem:$0x0];
	_ =	sdelay $0x2  }
0x2f: {  	s31 =	sshll.u32 s3, $0xD;
	s3 =	sshrl.u32 s3, $0x2  }
0x30: {  	s2 =	sand.u32 $0x4000, s31;
	s1 =	sadd.s32 s3, s30  }
0x31: {  	s0 =	sor.u32 s2, s0;
	s1 =	sshll.u32 s1, $0x11  }
0x32: {  	s0 =	sor.u32 s1, s0  }
0x33: {  	s0 =	sadd.s32 $0x8F2B, s0  }
0x34: {  	[sflag:s0] =	ssyncadd.remote.s32 $0x1  }
0x35: {  	_ =	sfence.sel $0xFFFF  }
0x36: {  	[dreg:$0x0] =	wrdreg $0xFFFFFFFF;
	(pc) =	sbr.abs _section_cstart, $3  }
0x37: {  	[dreg:$0x1] =	wrdreg $0xFFFFFFFF  }
0x38: {  	_ =	task.clear_ibuf [dreg:s6], $0x2FFFF;
	_ =	strace $0x9FFFFFFF  }
0x39: {  	(tm) =	ssettm $0x7FFFFFFF  }
tec
execute0_lowered:
.L_overlay_start_1:
0x0: {  	(tag) =	ssettag $0x1  }
0x1: {  	s0 =	stileid.u32  }
0x2: {  	s1 =	srdreg.scid;
	s5 =	rddreg [dreg:$0x0];
	s31 =	simm.s32 $0x2  }
0x3: {  	s17 =	simm.s32 $0x0;
	s9 =	simm.s32 $0x8000;
	s18 =	simm.s32 $0x0  }
0x4: {  	s19 =	simm.s32 $0x0;
	s2 =	sshll.u32 s0, $0x6;
	s1 =	sshll.u32 s1, $0xA  }
0x5: {  	s10 =	simm.s32 $0x0;
	s11 =	simm.s32 $0x0;
	s1 =	sor.u32 s2, s1  }
0x6: {  	s12 =	simm.s32 $0x0;
	s13 =	simm.s32 $0x0;
	s1 =	sand.u32 $0x780, s1  }
0x7: {  	s16 =	simm.s32 $0x0;
	s2 =	sand.u32 $0x1, s0;
	s3 =	ssub.s32 $0x1000, s1  }
0x8: {  	s4 =	ssub.s32 $0x2, s2;
	s15 =	smov.u32 s2;
	s6 =	sand.u32 $0x780, s3  }
0x9: {  	s7 =	sshrl.u32 s4, $0x1;
	p0 =	sne.s32 s6, $0x0;
	s6 =	simm.s32 $0x1  }
0xa: {  	s4 =	sand.u32 $0x1, s4;
	s8 =	sshrl.u32 s3, $0xB;
	s6 =	simm.s32 @!p0 $0x0  }
.Ltmp0:
0xb: {  	s4 =	sadd.s32 s4, s7;
	s6 =	sadd.s32 s6, s8;
	(pc) =	sbr.rel .LBB1_1-.Ltmp0, $4  }
0xc: {  	s14 =	smov.u32 s1;
	s3 =	rddreg [dreg:$0x1];
	s7 =	smul.u32 s6, s4  }
0xd: {  	_ =	strace $0x80000047;
	p0 =	por $0x0, $0x0;
	s6 =	simm.s32 $0x1  }
0xe: {  	s4 =	sadd.s32 $0x81000, s5;
	[sflag:s6] =	ssyncpa.u1 $0x0;
	s7 =	sshll.u32 s7, $0x6  }
0xf: {  	s5 =	sadd.s32 $0x881000, s5;
	[sflag:s31] =	ssyncpa.u1 $0x0;
	s8 =	sor.u32 $0x1, s7  }
.LBB1_4:
0x10: {  	s24 =	sshra.s32 s24, $0x2  }
0x11: {  	s25 =	sshra.s32 s12, $0x1F;
	p1 =	sgt.s32 s12, $0x1;
	s27 =	smov.u32 s12  }
0x12: {  	p2 =	sgt.s32 s11, $0xF80;
	s29 =	sshra.s32 s11, $0x1F;
	s30 =	smov.u32 s10  }
0x13: {  	s31 =	sshra.s32 s10, $0x1F;
	s23 =	sadd.s32 s24, s23;
	s24 =	sshll.u32 s11, $0x3  }
0x14: {  	s25 =	sand.u32 s25, s12;
	s27 =	simm.s32 @!p1 $0x1;
	s29 =	sand.u32 s29, s11  }
0x15: {  	s26 =	sshrl.u32 s24, $0xC;
	s25 =	sxor.u32 $0xFFFFFFFF, s25;
	s24 =	sand.u32 $0xC00, s24  }
0x16: {  	[tilespmem:s22+$0x2040 ss:$0x81] =	vst.msk $0xffff, v4;
	s28 =	smulhi.u32 $0x38E38E4, s26;
	s25 =	sadd.s32 s25, s27;
	s27 =	smov.u32 s11  }
0x17: {  	v5 =	vld [tilespmem:s21+$0xFFFFFFD0];
	[tilespmem:s22+$0x2850 ss:$0x81] =	vst.msk $0xffff, v3;
	p1 =	sgt.s32 s25, $0x0;
	s27 =	simm.s32 @!p2 $0xF80;
	s25 =	ssub.s32 $0x1, s25  }
0x18: {  	v58 =	vld [tilespmem:s21+$0xFFFFFFE0];
	[tilespmem:s22+$0x3060 ss:$0x81] =	vst.msk $0xffff, v2;
	p2 =	sgt.s32 s10, $0x3F;
	s27 =	ssub.s32 s27, s29;
	s25 =	smul.u32 $0x48, s25  }
0x19: {  	v59 =	vld [tilespmem:s21+$0xFFFFFFF0];
	[tilespmem:s22+$0x0 ss:$0x81] =	vst.msk $0xffff, v1;
	s30 =	simm.s32 @!p2 $0x3F;
	s29 =	sand.u32 s31, s10;
	s22 =	smul.u32 $0x48, s28  }
0x1a: {  	v60 =	vld [tilespmem:s21+$0x0];
	s28 =	sand.u32 $0x78, s11;
	s29 =	ssub.s32 s30, s29;
	s31 =	sadd.s32 $0xFFFFF080, s27  }
0x1b: {  	v61 =	vld [tilespmem:s21+$0x10];
	[tilespmem:s23+$0x3870 ss:$0x81] =	vst.msk $0xffff, v0;
	s27 =	ssub.s32 $0x1000, s27;
	s30 =	smul.u32 $0x240000, s12;
	s24 =	sor.u32 s28, s24  }
0x1c: {  	v62 =	vld [tilespmem:s21+$0x20];
	[tilespmem:s23+$0x810 ss:$0x81] =	vst.msk $0xffff, v5;
	p2 =	sgt.s32 s31, $0x7F;
	s25 =	simm.s32 @p1 $0x0;
	s31 =	sadd.s32 $0xFFFFFFC1, s29  }
0x1d: {  	v63 =	vld [tilespmem:s21+$0xFFFFFFC0];
	[tilespmem:s23+$0x1020 ss:$0x81] =	vst.msk $0xffff, v58;
	s27 =	simm.s32 @p2 $0x0;
	p1 =	sgt.s32 s31, $0x0;
	s31 =	smul.u32 $0x9000, s10  }
0x1e: {  	[tilespmem:s23+$0x1830 ss:$0x81] =	vst.msk $0xffff, v59;
	s21 =	ssub.s32 $0x40, s29;
	s22 =	ssub.s32 s26, s22;
	s25 =	smul.u32 s27, s25  }
0x1f: {  	[tilespmem:s23+$0x2040 ss:$0x81] =	vst.msk $0xffff, v60;
	s29 =	sand.u32 $0x7, s11;
	s21 =	simm.s32 @p1 $0x0;
	s27 =	sadd.s32 s5, s30  }
0x20: {  	[tilespmem:s23+$0x2850 ss:$0x81] =	vst.msk $0xffff, v61;
	s22 =	sshll.u32 s22, $0x9;
	s21 =	smul.u32 s21, s25;
	s25 =	sadd.s32 s31, s27  }
0x21: {  	[tilespmem:s23+$0x3060 ss:$0x81] =	vst.msk $0xffff, v62;
	s24 =	sshrl.u32 s24, $0x3;
	s30 =	sshll.u32 s29, $0x12;
	s22 =	sadd.s32 s22, s25  }
0x22: {  	[tilespmem:s23+$0x0 ss:$0x81] =	vst.msk $0xffff, v63;
	s31 =	sor.u32 $0x400, s30;
	s21 =	sand.u32 $0x3FFFFFF8, s21;
	s22 =	sadd.s32 s24, s22  }
0x23: {  	[hbm4b:s22+s31] =	stream.strided.scatter [tilespmem:s20], [sflag:$0x2], s21, s9, s31, $0x20;
	[tilespmem:$0x10100] =	vst v63  }
.LBB1_5:
0x24: {  	p1 =	slt.u32 s16, $0x2;
	s21 =	smov.u32 s19  }
0x25: {  	s22 =	smov.u32 s17;
	p2 =	sgt.s32 @!p1 s19, $0x1;
	s20 =	sshra.s32 @!p1 s19, $0x1F  }
0x26: {  	p3 =	sgt.s32 @!p1 s18, $0xF80;
	p2 =	por !p2, p1;
	s19 =	sand.u32 @!p1 s20, s19  }
0x27: {  	p3 =	por !p3, p1;
	s20 =	smov.u32 s18;
	s21 =	simm.s32 @p2 $0x1  }
0x28: {  	s19 =	sxor.u32 @!p1 $0xFFFFFFFF, s19;
	s20 =	simm.s32 @p3 $0xF80;
	p3 =	sgt.s32 @!p1 s17, $0x3F  }
0x29: {  	s19 =	sadd.s32 @!p1 s19, s21;
	s21 =	sshra.s32 @!p1 s18, $0x1F;
	p3 =	por !p3, p1  }
0x2a: {  	p2 =	sgt.s32 @!p1 s19, $0x0;
	s18 =	sand.u32 @!p1 s21, s18;
	s21 =	sshra.s32 @!p1 s17, $0x1F  }
0x2b: {  	s22 =	simm.s32 @p3 $0x3F;
	s19 =	ssub.s32 @!p1 $0x1, s19;
	s18 =	ssub.s32 @!p1 s20, s18  }
0x2c: {  	s17 =	sand.u32 @!p1 s21, s17;
	s19 =	smul.u32 @!p1 $0x48, s19;
	s20 =	sadd.s32 @!p1 $0xFFFFF080, s18  }
0x2d: {  	p2 =	por !p2, p1;
	s17 =	ssub.s32 @!p1 s22, s17;
	p3 =	sgt.s32 @!p1 s20, $0x7F  }
0x2e: {  	s18 =	ssub.s32 @!p1 $0x1000, s18;
	s21 =	sadd.s32 @!p1 $0xFFFFFFC1, s17;
	p3 =	por !p3, p1  }
0x2f: {  	s19 =	simm.s32 @!p2 $0x0;
	s18 =	simm.s32 @!p3 $0x0;
	p3 =	sgt.s32 @!p1 s21, $0x0  }
0x30: {  	s17 =	ssub.s32 @!p1 $0x40, s17;
	p2 =	por !p3, p1;
	s18 =	smul.u32 @!p1 s18, s19  }
0x31: {  	s20 =	sadd.s32 $0x1, s13;
	s21 =	smov.u32 s14;
	s17 =	simm.s32 @!p2 $0x0  }
0x32: {  	p2 =	sgt.s32 s20, $0x3F;
	s17 =	smul.u32 @!p1 s17, s18;
	s18 =	sadd.s32 $0x800, s14  }
0x33: {  	s21 =	smov.u32 @p2 s18  }
0x34: {  	s23 =	smov.u32 s15;
	s18 =	sadd.s32 $0x2, s15;
	p3 =	sgt.s32 s21, $0xFFF  }
0x35: {  	p0 =	por !p0, !p0;
	s22 =	simm.s32 @!p1 $0x2;
	s23 =	smov.u32 @p3 s18  }
0x36: {  	s19 =	smov.u32 s12;
	s20 =	simm.s32 @p2 $0x0;
	p2 =	sgt.s32 s23, $0x1  }
0x37: {  	s17 =	sand.u32 @!p1 $0x3FFFFFF8, s17;
	s23 =	smov.u32 @p2 s2;
	p2 =	sne.s32 s16, s8  }
.Ltmp1:
0x38: {  	s12 =	smov.u32 s15;
	_ =	swait.ge @!p1 [sflag:s22], s17;
	(pc) =	sbr.rel @!p2 .LBB1_6-.Ltmp1, $4  }
0x39: {  	s24 =	ssub.s32 @!p1 $0x0, s17;
	s21 =	smov.u32 @p3 s1;
	s17 =	smov.u32 s10  }
0x3a: {  	s18 =	smov.u32 s11;
	s10 =	smov.u32 s13;
	s11 =	smov.u32 s14  }
0x3b: {  	s13 =	smov.u32 s20;
	[sflag:s22] =	ssyncset.done @!p1 $0x0;
	s14 =	smov.u32 s21  }
0x3c: {  	s16 =	sadd.s32 $0x1, s16;
	[sflag:s22] =	ssyncadd.s32 @!p1 s24;
	s15 =	smov.u32 s23  }
.LBB1_1:
0x3d: {  	p1 =	sge.u32 s16, s7;
	s31 =	sadd.s32 $0xFFFFFFFF, s16  }
0x3e: {  	s20 =	sxor.u32 @!p1 $0xFFFFFFFF, s16;
	s21 =	sshll.u32 @!p1 s15, $0x16;
	s22 =	sshll.u32 @!p1 s14, $0xA  }
0x3f: {  	s23 =	sshll.u32 @!p1 s13, $0x4;
	s20 =	sshll.u32 @!p1 s20, $0xE;
	s21 =	sadd.s32 @!p1 s4, s21  }
0x40: {  	s23 =	sand.u32 @!p1 $0x3F0, s23;
	s20 =	sand.u32 @!p1 $0x4000, s20;
	s21 =	sadd.s32 @!p1 s22, s21  }
0x41: {  	s22 =	simm.s32 @!p1 $0x80;
	s21 =	sadd.s32 @!p1 s23, s21;
	s23 =	simm.s32 @!p1 $0x2000  }
0x42: {  	[tilespmem:s20], [sflag:$0x1] =	stream.strided.gather @!p1 [hbm4b:s21+s22], $0x4000, s23, s22, $0x38;
	[tilespmem:$0x10100] =	vst v63  }
0x43: {  	p1 =	sge.u32 s31, s7  }
.Ltmp2:
0x44: {  	_ = 	snop;
	(pc) =	sbr.rel @p1 .LBB1_5-.Ltmp2, $1  }
0x45: {  	_ =	sdelay $0x3  }
0x46: {  	s20 =	simm.s32 $0x1  }
0x47: {  	_ =	swait.ge [sflag:s6], $0x4000;
	s20 =	simm.s32 @!p0 $0x0  }
0x48: {  	[sflag:s6] =	ssyncset.done $0x0;
	s21 =	sshll.u32 s20, $0xE  }
0x49: {  	[sflag:s6] =	ssyncadd.s32 $0xFFFFC000;
	s21 =	sor.u32 $0x40, s21  }
0x4a: {  	s20 =	smul.u32 $0x10200, s20;
	v0 =	vld [tilespmem:s21+$0x30]  }
0x4b: {  	v1 =	vld [tilespmem:s21+$0xFFFFFFD0]  }
0x4c: {  	s20 =	sshrl.u32 s20, $0x2;
	v5 =	vld [tilespmem:s21+$0xFFFFFFE0]  }
0x4d: {  	v6 =	vld [tilespmem:s21+$0xFFFFFFF0];
	s23 =	sor.u32 $0x8000, s20  }
0x4e: {  	s31 =	sand.u32 $0x1, s16;
	v4 =	vld [tilespmem:s21+$0x0];
	s22 =	sadd.s32 $0x0, s23  }
0x4f: {  	v3 =	vld [tilespmem:s21+$0x10];
	s20 =	smul.u32 $0x10200, s31;
	[tilespmem:s22+$0x3870 ss:$0x81] =	vst.msk $0xffff, v0  }
0x50: {  	v2 =	vld [tilespmem:s21+$0x20];
	[tilespmem:s22+$0x810 ss:$0x81] =	vst.msk $0xffff, v1  }
0x51: {  	s20 =	sshrl.u32 s20, $0x2;
	v1 =	vld [tilespmem:s21+$0xFFFFFFC0];
	[tilespmem:s22+$0x1020 ss:$0x81] =	vst.msk $0xffff, v5;
	s21 =	sadd.s32 $0x80, s21  }
0x52: {  	s24 =	simm.s32 $0x4;
	s25 =	simm.s32 $0x8;
	s20 =	sor.u32 $0x8000, s20;
	[tilespmem:s22+$0x1830 ss:$0x81] =	vst.msk $0xffff, v6;
	v0 =	vld [tilespmem:s21+$0x30]  }
.LBB1_3:
0x53: {  	p1 =	sne.s32 s25, $0x1FC;
	v5 =	vld [tilespmem:s21+$0xFFFFFFD0];
	[tilespmem:s22+$0x2040 ss:$0x81] =	vst.msk $0xffff, v4  }
0x54: {  	v6 =	vld [tilespmem:s21+$0xFFFFFFE0];
	[tilespmem:s22+$0x2850 ss:$0x81] =	vst.msk $0xffff, v3  }
0x55: {  	s26 =	sshra.s32 s24, $0x2;
	s24 =	smov.u32 s25;
	v7 =	vld [tilespmem:s21+$0xFFFFFFF0];
	[tilespmem:s22+$0x3060 ss:$0x81] =	vst.msk $0xffff, v2  }
.Ltmp3:
0x56: {  	v4 =	vld [tilespmem:s21+$0x0];
	[tilespmem:s22+$0x0 ss:$0x81] =	vst.msk $0xffff, v1;
	s22 =	sadd.s32 s26, s23;
	(pc) =	sbr.rel @p1 .LBB1_3-.Ltmp3, $4  }
0x57: {  	v3 =	vld [tilespmem:s21+$0x10];
	[tilespmem:s22+$0x3870 ss:$0x81] =	vst.msk $0xffff, v0  }
0x58: {  	[tilespmem:s22+$0x810 ss:$0x81] =	vst.msk $0xffff, v5;
	v2 =	vld [tilespmem:s21+$0x20]  }
0x59: {  	v1 =	vld [tilespmem:s21+$0xFFFFFFC0];
	[tilespmem:s22+$0x1020 ss:$0x81] =	vst.msk $0xffff, v6;
	s21 =	sadd.s32 $0x80, s21  }
0x5a: {  	s25 =	sadd.s32 $0x4, s25;
	v0 =	vld [tilespmem:s21+$0x30];
	[tilespmem:s22+$0x1830 ss:$0x81] =	vst.msk $0xffff, v7  }
.Ltmp4:
0x5b: {  	_ = 	snop;
	(pc) =	sbr.rel .LBB1_4-.Ltmp4, $1  }
0x5c: {  	_ =	sdelay $0x3  }
.LBB1_6:
0x5d: {  	_ =	sfence.sel $0x180000  }
0x5e: {  	s1 =	simm.s32 $0x1;
	[bflag:$0x0] =	sbarrier.arrive $0xFFFF  }
0x5f: {  	s31 =	simm.s32 $0x2;
	[sflag:s1] =	ssyncpa.u1 $0x1  }
0x60: {  	[sflag:s31] =	ssyncpa.u1 $0x1  }
0x61: {  	p0 =	sne.s32 s0, $0x0;
	_ =	strace $0x90000047  }
0x62: {  	s0 =	sadd.s32 @!p0 $0x100000, s3;
	[bflag:$0x2] =	sbarrier.arrive $0xFFFF  }
0x63: {  	[sflag:s0] =	ssyncadd.tile.s32 @!p0 $0x1;
	_ =	shalt  }
.Lfunc_end1:
_tile_overlayer_lowered:
.L_overlay_start_2:
0x64: {  	(tag) =	ssettag $0x2  }
0x65: {  	s0 =	rddreg [dreg:$0x0];
	s2 =	stileid.u32  }
0x66: {  	s1 =	rddreg [dreg:$0x1];
	p0 =	sne.s32 s2, $0x0  }
0x67: {  	s3 =	rddreg [dreg:$0x2];
	[bflag:$0x3] =	sbarrier.arrive $0xFFFF;
	s2 =	simm.s32 @!p0 $0x1C01  }
0x68: {  	[timem:s3], [sflag:s2] =	dma.local @!p0 [hbm:s0], s1  }
0x69: {  	s0 =	simm.s32 @!p0 $0x1  }
0x6a: {  	_ =	swait.ge @!p0 [sflag:s0], s1  }
0x6b: {  	s1 =	ssub.s32 @!p0 $0x0, s1;
	[sflag:s0] =	ssyncset.done @!p0 $0x0  }
0x6c: {  	[sflag:s0] =	ssyncadd.s32 @!p0 s1  }
0x6d: {  	[bflag:$0x3] =	sbarrier.arrive $0xFFFF  }
0x6e: {  	_ =	shalt  }

</sc_bundles>
